<compile_context>
chip_gen: v7x
topology: tpu7x:2x2x1
jax: 0.10.2.dev20260603
libtpu: 0.0.44.dev20260713+nightly
codegen_flags: <defaults>
</compile_context>

<pallas_src>
import functools

import jax
import jax.numpy as jnp
from jax import lax
from jax.experimental import pallas as pl
from jax.experimental.pallas import tpu as pltpu
from jax.experimental.pallas import tpu_sc as plsc

N = 10000
D_IN = 256
D_OUT = 256
E = 160000
H = 128
NS = 16
K = 128
CH = 80
PC = 40
NP = CH // PC
EPT = CH * K
EPAD = EPT * NS
IDX_ROWS = NS * CH + 8
AGG_ROWS = ((N + NS - 1) // NS + K - 1) // K * K * NS
ZR = AGG_ROWS // NS

def _sc_body(y_hbm, row_hbm, col_hbm, out_hbm,
             row_all, col_all, buf0, buf1, agg_sh, sem0, sem1):
    c = lax.axis_index("c")
    s = lax.axis_index("s")

    zero16 = jnp.zeros((16,), jnp.float32)

    def _zrow(r, carry):
        for j in range(buf0.shape[1] // 16):
            buf0[r, pl.ds(j * 16, 16)] = zero16
        return carry

    lax.fori_loop(0, K, _zrow, 0)
    for i in range(ZR // K):
        pltpu.sync_copy(buf0, agg_sh.at[pl.ds(s * ZR + i * K, K), :])
    plsc.subcore_barrier()

    for p in range(NP):
        base = s * CH + p * PC
        pltpu.sync_copy(row_hbm.at[c, pl.ds(base, PC + 8), :], row_all)
        pltpu.sync_copy(col_hbm.at[pl.ds(base, PC + 8), :], col_all)
        pltpu.make_async_copy(y_hbm.at[row_all.at[0]], buf0, sem0).start()
        pltpu.make_async_copy(y_hbm.at[row_all.at[1]], buf1, sem1).start()

        def _pair(i2, carry):
            i = i2 * 2
            pltpu.make_async_copy(y_hbm.at[row_all.at[i]], buf0, sem0).wait()
            pltpu.sync_copy(buf0, agg_sh.at[col_all.at[i]], add=True)
            pltpu.make_async_copy(y_hbm.at[row_all.at[i + 2]], buf0, sem0).start()
            pltpu.make_async_copy(y_hbm.at[row_all.at[i + 1]], buf1, sem1).wait()
            pltpu.sync_copy(buf1, agg_sh.at[col_all.at[i + 1]], add=True)
            pltpu.make_async_copy(y_hbm.at[row_all.at[i + 3]], buf1, sem1).start()
            return carry

        lax.fori_loop(0, PC // 2, _pair, 0)
        pltpu.make_async_copy(y_hbm.at[row_all.at[0]], buf0, sem0).wait()
        pltpu.make_async_copy(y_hbm.at[row_all.at[1]], buf1, sem1).wait()
    plsc.subcore_barrier()

    for i in range(ZR // K):
        r0 = s * ZR + i * K
        buf = buf0 if i % 2 == 0 else buf1
        pltpu.sync_copy(agg_sh.at[pl.ds(r0, K), :], buf)
        pltpu.sync_copy(buf, out_hbm.at[pl.ds(c * AGG_ROWS + r0, K), :])


def _sc_gather_scatter(y2, row_pad, col_pad):
    mesh = plsc.VectorSubcoreMesh(core_axis_name="c", subcore_axis_name="s")
    f = functools.partial(
        pl.kernel,
        mesh=mesh,
        out_type=jax.ShapeDtypeStruct((2 * AGG_ROWS, H), jnp.float32),
        scratch_types=[
            pltpu.VMEM((PC + 8, K), jnp.int32),
            pltpu.VMEM((PC + 8, K), jnp.int32),
            pltpu.VMEM((K, H), jnp.float32),
            pltpu.VMEM((K, H), jnp.float32),
            pltpu.VMEM_SHARED((AGG_ROWS, H), jnp.float32),
            pltpu.SemaphoreType.DMA,
            pltpu.SemaphoreType.DMA,
        ],
    )(_sc_body)
    return f(y2, row_pad, col_pad)


def _scale_body(x_ref, d_ref, o_ref):
    o_ref[...] = x_ref[...] * d_ref[...]


def _epilogue_body(a0_ref, a1_ref, w_ref, b_ref, d_ref, o_ref):
    acc = lax.dot_general(a0_ref[...], w_ref[:, :H], (((1,), (1,)), ((), ())),
                          preferred_element_type=jnp.float32)
    acc = acc + lax.dot_general(a1_ref[...], w_ref[:, H:], (((1,), (1,)), ((), ())),
                                preferred_element_type=jnp.float32)
    v = acc * d_ref[...] + b_ref[...]
    o_ref[...] = jnp.where(v > 0, v, jnp.exp(jnp.minimum(v, 0.0)) - 1.0)


def kernel(x, edge_index, deg_inv_sqrt, W, b):
    row = edge_index[0].astype(jnp.int32)
    col = edge_index[1].astype(jnp.int32)
    row_pad = jnp.concatenate(
        [row, jnp.zeros((EPAD - E,), jnp.int32)]).reshape(NS * CH, K)
    col_pad = jnp.concatenate(
        [col, jnp.full((EPAD - E,), N, jnp.int32)]).reshape(NS * CH, K)
    row_pad = jnp.concatenate([row_pad, jnp.zeros((8, K), jnp.int32)])
    col_pad = jnp.concatenate([col_pad, jnp.full((8, K), N, jnp.int32)])
    row2 = jnp.stack([row_pad, row_pad + N])
    d2 = deg_inv_sqrt.reshape(N, 1)

    NB = 2000
    nb = N // NB
    y2 = pl.pallas_call(
        _scale_body,
        grid=(2, nb),
        in_specs=[
            pl.BlockSpec((NB, H), lambda c, i: (i, c)),
            pl.BlockSpec((NB, 1), lambda c, i: (i, 0)),
        ],
        out_specs=pl.BlockSpec((NB, H), lambda c, i: (c * nb + i, 0)),
        out_shape=jax.ShapeDtypeStruct((2 * N, H), jnp.float32),
    )(x, d2)

    s2 = _sc_gather_scatter(y2, row2, col_pad)

    MB = 640
    mb = AGG_ROWS // MB
    d2p = jnp.pad(d2, ((0, AGG_ROWS - N), (0, 0)))
    out = pl.pallas_call(
        _epilogue_body,
        grid=(mb,),
        in_specs=[
            pl.BlockSpec((MB, H), lambda i: (i, 0)),
            pl.BlockSpec((MB, H), lambda i: (mb + i, 0)),
            pl.BlockSpec((D_OUT, D_IN), lambda i: (0, 0)),
            pl.BlockSpec((1, D_OUT), lambda i: (0, 0)),
            pl.BlockSpec((MB, 1), lambda i: (i, 0)),
        ],
        out_specs=pl.BlockSpec((MB, D_OUT), lambda i: (i, 0)),
        out_shape=jax.ShapeDtypeStruct((N, D_OUT), jnp.float32),
    )(s2, s2, W, b.reshape(1, D_OUT), d2p)
    return out

# --- scband reference (transcript-rebuilt; emitter-appended) ---
"""Pipeline reference for scband-gcnlayer-58961311040419 (READ-ONLY COPY).

The authoritative reference and input builder live on the scoring server;
editing this copy changes nothing except your own understanding.
"""

import jax, jax.numpy as jnp
import numpy as np

N = 10000
E = 160000
D_IN = 256
D_OUT = 256


def setup_inputs(seed: int = 0) -> dict:
    key = jax.random.key(seed)
    k1, k2, k3, k4, k5 = jax.random.split(key, 5)
    x = jax.random.normal(k1, (N, D_IN), dtype=jnp.float32)
    edge_index = jax.random.randint(k2, (2, E), 0, N, dtype=jnp.int64)
    deg_inv_sqrt = jax.random.uniform(k3, (N,), dtype=jnp.float32)
    # Linear layer params (torch convention: W [out, in], b [out])
    bound = 1.0 / np.sqrt(D_IN)
    W = jax.random.uniform(k4, (D_OUT, D_IN), minval=-bound, maxval=bound, dtype=jnp.float32)
    b = jax.random.uniform(k5, (D_OUT,), minval=-bound, maxval=bound, dtype=jnp.float32)
    return {"x": x, "edge_index": edge_index, "deg_inv_sqrt": deg_inv_sqrt, "W": W, "b": b}


def reference(x, edge_index, deg_inv_sqrt, W, b):
    row = edge_index[0]
    col = edge_index[1]
    x_j = jnp.take(x, row, axis=0)  # gather source node features [E, D_IN]
    norm = (jnp.take(deg_inv_sqrt, row) * jnp.take(deg_inv_sqrt, col))[:, None]
    msg = x_j * norm
    agg = jnp.zeros_like(x).at[col].add(msg)  # scatter-add to dst nodes
    out = agg @ W.T + b
    return jax.nn.elu(out)

if __name__ == "__main__":
    import jax
    _d = setup_inputs()
    print(jax.jit(kernel)(*tuple(_d.values())))

</pallas_src>

<mosaic_0001>
#map = affine_map<(d0, d1) -> (0, 0)>
#map1 = affine_map<(d0, d1) -> (0, 0, 0)>
module attributes {stable_mosaic.version = 14 : i64} {
  func.func @_sc_body(%arg0: i32, %arg1: i32, %arg2: memref<20000x128xf32, #tpu.memory_space<hbm>>, %arg3: memref<2x1288x128xi32, #tpu.memory_space<hbm>>, %arg4: memref<1288x128xi32, #tpu.memory_space<hbm>>, %arg5: memref<20480x128xf32, #tpu.memory_space<hbm>>, %arg6: memref<48x128xi32, #tpu.memory_space<vmem>>, %arg7: memref<48x128xi32, #tpu.memory_space<vmem>>, %arg8: memref<128x128xf32, #tpu.memory_space<vmem>>, %arg9: memref<128x128xf32, #tpu.memory_space<vmem>>, %arg10: memref<10240x128xf32, #tpu.memory_space<vmem_shared>>, %arg11: memref<!tpu.dma_semaphore, #tpu.memory_space<semaphore_mem>>, %arg12: memref<!tpu.dma_semaphore, #tpu.memory_space<semaphore_mem>>) attributes {dimension_semantics = [#tpu.dimension_semantics<core_parallel>, #tpu.dimension_semantics<subcore_parallel>], iteration_bounds = array<i64: 2, 16>, scalar_prefetch = 0 : i64, scratch_operands = 7 : i64, tpu.core_type = #tpu.core_type<sc_vector_subcore>, window_params = [{transform_indices = #map}, {transform_indices = #map1}, {transform_indices = #map}, {transform_indices = #map}]} {
    %broadcast_in_dim3A = arith.constant 0.000000e+00 : f32
    %broadcast_in_dim3A_0 = vector.broadcast %broadcast_in_dim3A : f32 to vector<16xf32>
    %scan3A = arith.constant 0 : i32
    %scan3A_1 = arith.constant 0 : i32
    %scan3A_2 = arith.constant 128 : i32
    %scan3A_3 = arith.addi %scan3A_1, %scan3A_2 : i32
    %scan3A_4 = arith.constant 1 : i32
    scf.for %scan3A_134 = %scan3A_1 to %scan3A_3 step %scan3A_4  : i32 {
      %swap3A = arith.index_cast %scan3A_134 : i32 to index
      %swap3A_135 = arith.constant 0 : index
      %swap3A_136 = tpu.vector_load %arg8[%swap3A, %swap3A_135] {strides = array<i32>} : memref<128x128xf32, #tpu.memory_space<vmem>>, vector<1x16xf32>,
      %swap3A_137 = vector.shape_cast %swap3A_136 : vector<1x16xf32> to vector<16xf32>
      %swap3A_138 = vector.shape_cast %broadcast_in_dim3A_0 : vector<16xf32> to vector<1x16xf32>
      tpu.vector_store %arg8[%swap3A, %swap3A_135], %swap3A_138 {strides = array<i32>} : memref<128x128xf32, #tpu.memory_space<vmem>>, vector<1x16xf32>,
      %swap3A_139 = arith.index_cast %scan3A_134 : i32 to index
      %swap3A_140 = arith.constant 16 : index
      %swap3A_141 = tpu.vector_load %arg8[%swap3A_139, %swap3A_140] {strides = array<i32>} : memref<128x128xf32, #tpu.memory_space<vmem>>, vector<1x16xf32>,
      %swap3A_142 = vector.shape_cast %swap3A_141 : vector<1x16xf32> to vector<16xf32>
      %swap3A_143 = vector.shape_cast %broadcast_in_dim3A_0 : vector<16xf32> to vector<1x16xf32>
      tpu.vector_store %arg8[%swap3A_139, %swap3A_140], %swap3A_143 {strides = array<i32>} : memref<128x128xf32, #tpu.memory_space<vmem>>, vector<1x16xf32>,
      %swap3A_144 = arith.index_cast %scan3A_134 : i32 to index
      %swap3A_145 = arith.constant 32 : index
      %swap3A_146 = tpu.vector_load %arg8[%swap3A_144, %swap3A_145] {strides = array<i32>} : memref<128x128xf32, #tpu.memory_space<vmem>>, vector<1x16xf32>,
      %swap3A_147 = vector.shape_cast %swap3A_146 : vector<1x16xf32> to vector<16xf32>
      %swap3A_148 = vector.shape_cast %broadcast_in_dim3A_0 : vector<16xf32> to vector<1x16xf32>
      tpu.vector_store %arg8[%swap3A_144, %swap3A_145], %swap3A_148 {strides = array<i32>} : memref<128x128xf32, #tpu.memory_space<vmem>>, vector<1x16xf32>,
      %swap3A_149 = arith.index_cast %scan3A_134 : i32 to index
      %swap3A_150 = arith.constant 48 : index
      %swap3A_151 = tpu.vector_load %arg8[%swap3A_149, %swap3A_150] {strides = array<i32>} : memref<128x128xf32, #tpu.memory_space<vmem>>, vector<1x16xf32>,
      %swap3A_152 = vector.shape_cast %swap3A_151 : vector<1x16xf32> to vector<16xf32>
      %swap3A_153 = vector.shape_cast %broadcast_in_dim3A_0 : vector<16xf32> to vector<1x16xf32>
      tpu.vector_store %arg8[%swap3A_149, %swap3A_150], %swap3A_153 {strides = array<i32>} : memref<128x128xf32, #tpu.memory_space<vmem>>, vector<1x16xf32>,
      %swap3A_154 = arith.index_cast %scan3A_134 : i32 to index
      %swap3A_155 = arith.constant 64 : index
      %swap3A_156 = tpu.vector_load %arg8[%swap3A_154, %swap3A_155] {strides = array<i32>} : memref<128x128xf32, #tpu.memory_space<vmem>>, vector<1x16xf32>,
      %swap3A_157 = vector.shape_cast %swap3A_156 : vector<1x16xf32> to vector<16xf32>
      %swap3A_158 = vector.shape_cast %broadcast_in_dim3A_0 : vector<16xf32> to vector<1x16xf32>
      tpu.vector_store %arg8[%swap3A_154, %swap3A_155], %swap3A_158 {strides = array<i32>} : memref<128x128xf32, #tpu.memory_space<vmem>>, vector<1x16xf32>,
      %swap3A_159 = arith.index_cast %scan3A_134 : i32 to index
      %swap3A_160 = arith.constant 80 : index
      %swap3A_161 = tpu.vector_load %arg8[%swap3A_159, %swap3A_160] {strides = array<i32>} : memref<128x128xf32, #tpu.memory_space<vmem>>, vector<1x16xf32>,
      %swap3A_162 = vector.shape_cast %swap3A_161 : vector<1x16xf32> to vector<16xf32>
      %swap3A_163 = vector.shape_cast %broadcast_in_dim3A_0 : vector<16xf32> to vector<1x16xf32>
      tpu.vector_store %arg8[%swap3A_159, %swap3A_160], %swap3A_163 {strides = array<i32>} : memref<128x128xf32, #tpu.memory_space<vmem>>, vector<1x16xf32>,
      %swap3A_164 = arith.index_cast %scan3A_134 : i32 to index
      %swap3A_165 = arith.constant 96 : index
      %swap3A_166 = tpu.vector_load %arg8[%swap3A_164, %swap3A_165] {strides = array<i32>} : memref<128x128xf32, #tpu.memory_space<vmem>>, vector<1x16xf32>,
      %swap3A_167 = vector.shape_cast %swap3A_166 : vector<1x16xf32> to vector<16xf32>
      %swap3A_168 = vector.shape_cast %broadcast_in_dim3A_0 : vector<16xf32> to vector<1x16xf32>
      tpu.vector_store %arg8[%swap3A_164, %swap3A_165], %swap3A_168 {strides = array<i32>} : memref<128x128xf32, #tpu.memory_space<vmem>>, vector<1x16xf32>,
      %swap3A_169 = arith.index_cast %scan3A_134 : i32 to index
      %swap3A_170 = arith.constant 112 : index
      %swap3A_171 = tpu.vector_load %arg8[%swap3A_169, %swap3A_170] {strides = array<i32>} : memref<128x128xf32, #tpu.memory_space<vmem>>, vector<1x16xf32>,
      %swap3A_172 = vector.shape_cast %swap3A_171 : vector<1x16xf32> to vector<16xf32>
      %swap3A_173 = vector.shape_cast %broadcast_in_dim3A_0 : vector<16xf32> to vector<1x16xf32>
      tpu.vector_store %arg8[%swap3A_169, %swap3A_170], %swap3A_173 {strides = array<i32>} : memref<128x128xf32, #tpu.memory_space<vmem>>, vector<1x16xf32>,
    }
    %scan3A_5 = arith.constant 128 : i32
    %mul3A = arith.constant 640 : i32
    %mul3A_6 = arith.muli %arg1, %mul3A : i32
    %add3A = arith.constant 0 : i32
    %add3A_7 = arith.addi %mul3A_6, %add3A : i32
    "tpu.region"() ({
      %run_scoped3A = tpu.sem_alloc : memref<!tpu.dma_semaphore, #tpu.memory_space<semaphore_mem>>
      %dma_start3A_134 = arith.constant 0 : i32
      %dma_start3A_135 = tpu.memref_slice %arg10[%add3A_7, %dma_start3A_134] : memref<10240x128xf32, #tpu.memory_space<vmem_shared>> -> memref<128x128xf32, #tpu.memory_space<vmem_shared>>
      %dma_start3A_136 = arith.constant 0 : i32
      %dma_start3A_137 = tpu.memref_slice %arg10[%add3A_7, %dma_start3A_136] : memref<10240x128xf32, #tpu.memory_space<vmem_shared>> -> memref<128x128xf32, #tpu.memory_space<vmem_shared>>
      tpu.enqueue_dma source(%arg8 : memref<128x128xf32, #tpu.memory_space<vmem>>) target(%dma_start3A_137 : memref<128x128xf32, #tpu.memory_space<vmem_shared>>) target_semaphore(%run_scoped3A : memref<!tpu.dma_semaphore, #tpu.memory_space<semaphore_mem>>)
      %dma_wait3A_138 = arith.constant 0 : i32
      %dma_wait3A_139 = tpu.memref_slice %arg10[%add3A_7, %dma_wait3A_138] : memref<10240x128xf32, #tpu.memory_space<vmem_shared>> -> memref<128x128xf32, #tpu.memory_space<vmem_shared>>
      %dma_wait3A_140 = arith.constant 0 : i32
      %dma_wait3A_141 = tpu.memref_slice %arg10[%add3A_7, %dma_wait3A_140] : memref<10240x128xf32, #tpu.memory_space<vmem_shared>> -> memref<128x128xf32, #tpu.memory_space<vmem_shared>>
      tpu.wait_dma2 semaphore(%run_scoped3A : memref<!tpu.dma_semaphore, #tpu.memory_space<semaphore_mem>>) src(%arg8 : memref<128x128xf32, #tpu.memory_space<vmem>>) dst(%dma_wait3A_141 : memref<128x128xf32, #tpu.memory_space<vmem_shared>>)
      tpu.yield
    }) : () -> ()
    %mul3A_8 = arith.constant 640 : i32
    %mul3A_9 = arith.muli %arg1, %mul3A_8 : i32
    %add3A_10 = arith.constant 128 : i32
    %add3A_11 = arith.addi %mul3A_9, %add3A_10 : i32
    "tpu.region"() ({
      %run_scoped3A = tpu.sem_alloc : memref<!tpu.dma_semaphore, #tpu.memory_space<semaphore_mem>>
      %dma_start3A_134 = arith.constant 0 : i32
      %dma_start3A_135 = tpu.memref_slice %arg10[%add3A_11, %dma_start3A_134] : memref<10240x128xf32, #tpu.memory_space<vmem_shared>> -> memref<128x128xf32, #tpu.memory_space<vmem_shared>>
      %dma_start3A_136 = arith.constant 0 : i32
      %dma_start3A_137 = tpu.memref_slice %arg10[%add3A_11, %dma_start3A_136] : memref<10240x128xf32, #tpu.memory_space<vmem_shared>> -> memref<128x128xf32, #tpu.memory_space<vmem_shared>>
      tpu.enqueue_dma source(%arg8 : memref<128x128xf32, #tpu.memory_space<vmem>>) target(%dma_start3A_137 : memref<128x128xf32, #tpu.memory_space<vmem_shared>>) target_semaphore(%run_scoped3A : memref<!tpu.dma_semaphore, #tpu.memory_space<semaphore_mem>>)
      %dma_wait3A_138 = arith.constant 0 : i32
      %dma_wait3A_139 = tpu.memref_slice %arg10[%add3A_11, %dma_wait3A_138] : memref<10240x128xf32, #tpu.memory_space<vmem_shared>> -> memref<128x128xf32, #tpu.memory_space<vmem_shared>>
      %dma_wait3A_140 = arith.constant 0 : i32
      %dma_wait3A_141 = tpu.memref_slice %arg10[%add3A_11, %dma_wait3A_140] : memref<10240x128xf32, #tpu.memory_space<vmem_shared>> -> memref<128x128xf32, #tpu.memory_space<vmem_shared>>
      tpu.wait_dma2 semaphore(%run_scoped3A : memref<!tpu.dma_semaphore, #tpu.memory_space<semaphore_mem>>) src(%arg8 : memref<128x128xf32, #tpu.memory_space<vmem>>) dst(%dma_wait3A_141 : memref<128x128xf32, #tpu.memory_space<vmem_shared>>)
      tpu.yield
    }) : () -> ()
    %mul3A_12 = arith.constant 640 : i32
    %mul3A_13 = arith.muli %arg1, %mul3A_12 : i32
    %add3A_14 = arith.constant 256 : i32
    %add3A_15 = arith.addi %mul3A_13, %add3A_14 : i32
    "tpu.region"() ({
      %run_scoped3A = tpu.sem_alloc : memref<!tpu.dma_semaphore, #tpu.memory_space<semaphore_mem>>
      %dma_start3A_134 = arith.constant 0 : i32
      %dma_start3A_135 = tpu.memref_slice %arg10[%add3A_15, %dma_start3A_134] : memref<10240x128xf32, #tpu.memory_space<vmem_shared>> -> memref<128x128xf32, #tpu.memory_space<vmem_shared>>
      %dma_start3A_136 = arith.constant 0 : i32
      %dma_start3A_137 = tpu.memref_slice %arg10[%add3A_15, %dma_start3A_136] : memref<10240x128xf32, #tpu.memory_space<vmem_shared>> -> memref<128x128xf32, #tpu.memory_space<vmem_shared>>
      tpu.enqueue_dma source(%arg8 : memref<128x128xf32, #tpu.memory_space<vmem>>) target(%dma_start3A_137 : memref<128x128xf32, #tpu.memory_space<vmem_shared>>) target_semaphore(%run_scoped3A : memref<!tpu.dma_semaphore, #tpu.memory_space<semaphore_mem>>)
      %dma_wait3A_138 = arith.constant 0 : i32
      %dma_wait3A_139 = tpu.memref_slice %arg10[%add3A_15, %dma_wait3A_138] : memref<10240x128xf32, #tpu.memory_space<vmem_shared>> -> memref<128x128xf32, #tpu.memory_space<vmem_shared>>
      %dma_wait3A_140 = arith.constant 0 : i32
      %dma_wait3A_141 = tpu.memref_slice %arg10[%add3A_15, %dma_wait3A_140] : memref<10240x128xf32, #tpu.memory_space<vmem_shared>> -> memref<128x128xf32, #tpu.memory_space<vmem_shared>>
      tpu.wait_dma2 semaphore(%run_scoped3A : memref<!tpu.dma_semaphore, #tpu.memory_space<semaphore_mem>>) src(%arg8 : memref<128x128xf32, #tpu.memory_space<vmem>>) dst(%dma_wait3A_141 : memref<128x128xf32, #tpu.memory_space<vmem_shared>>)
      tpu.yield
    }) : () -> ()
    %mul3A_16 = arith.constant 640 : i32
    %mul3A_17 = arith.muli %arg1, %mul3A_16 : i32
    %add3A_18 = arith.constant 384 : i32
    %add3A_19 = arith.addi %mul3A_17, %add3A_18 : i32
    "tpu.region"() ({
      %run_scoped3A = tpu.sem_alloc : memref<!tpu.dma_semaphore, #tpu.memory_space<semaphore_mem>>
      %dma_start3A_134 = arith.constant 0 : i32
      %dma_start3A_135 = tpu.memref_slice %arg10[%add3A_19, %dma_start3A_134] : memref<10240x128xf32, #tpu.memory_space<vmem_shared>> -> memref<128x128xf32, #tpu.memory_space<vmem_shared>>
      %dma_start3A_136 = arith.constant 0 : i32
      %dma_start3A_137 = tpu.memref_slice %arg10[%add3A_19, %dma_start3A_136] : memref<10240x128xf32, #tpu.memory_space<vmem_shared>> -> memref<128x128xf32, #tpu.memory_space<vmem_shared>>
      tpu.enqueue_dma source(%arg8 : memref<128x128xf32, #tpu.memory_space<vmem>>) target(%dma_start3A_137 : memref<128x128xf32, #tpu.memory_space<vmem_shared>>) target_semaphore(%run_scoped3A : memref<!tpu.dma_semaphore, #tpu.memory_space<semaphore_mem>>)
      %dma_wait3A_138 = arith.constant 0 : i32
      %dma_wait3A_139 = tpu.memref_slice %arg10[%add3A_19, %dma_wait3A_138] : memref<10240x128xf32, #tpu.memory_space<vmem_shared>> -> memref<128x128xf32, #tpu.memory_space<vmem_shared>>
      %dma_wait3A_140 = arith.constant 0 : i32
      %dma_wait3A_141 = tpu.memref_slice %arg10[%add3A_19, %dma_wait3A_140] : memref<10240x128xf32, #tpu.memory_space<vmem_shared>> -> memref<128x128xf32, #tpu.memory_space<vmem_shared>>
      tpu.wait_dma2 semaphore(%run_scoped3A : memref<!tpu.dma_semaphore, #tpu.memory_space<semaphore_mem>>) src(%arg8 : memref<128x128xf32, #tpu.memory_space<vmem>>) dst(%dma_wait3A_141 : memref<128x128xf32, #tpu.memory_space<vmem_shared>>)
      tpu.yield
    }) : () -> ()
    %mul3A_20 = arith.constant 640 : i32
    %mul3A_21 = arith.muli %arg1, %mul3A_20 : i32
    %add3A_22 = arith.constant 512 : i32
    %add3A_23 = arith.addi %mul3A_21, %add3A_22 : i32
    "tpu.region"() ({
      %run_scoped3A = tpu.sem_alloc : memref<!tpu.dma_semaphore, #tpu.memory_space<semaphore_mem>>
      %dma_start3A_134 = arith.constant 0 : i32
      %dma_start3A_135 = tpu.memref_slice %arg10[%add3A_23, %dma_start3A_134] : memref<10240x128xf32, #tpu.memory_space<vmem_shared>> -> memref<128x128xf32, #tpu.memory_space<vmem_shared>>
      %dma_start3A_136 = arith.constant 0 : i32
      %dma_start3A_137 = tpu.memref_slice %arg10[%add3A_23, %dma_start3A_136] : memref<10240x128xf32, #tpu.memory_space<vmem_shared>> -> memref<128x128xf32, #tpu.memory_space<vmem_shared>>
      tpu.enqueue_dma source(%arg8 : memref<128x128xf32, #tpu.memory_space<vmem>>) target(%dma_start3A_137 : memref<128x128xf32, #tpu.memory_space<vmem_shared>>) target_semaphore(%run_scoped3A : memref<!tpu.dma_semaphore, #tpu.memory_space<semaphore_mem>>)
      %dma_wait3A_138 = arith.constant 0 : i32
      %dma_wait3A_139 = tpu.memref_slice %arg10[%add3A_23, %dma_wait3A_138] : memref<10240x128xf32, #tpu.memory_space<vmem_shared>> -> memref<128x128xf32, #tpu.memory_space<vmem_shared>>
      %dma_wait3A_140 = arith.constant 0 : i32
      %dma_wait3A_141 = tpu.memref_slice %arg10[%add3A_23, %dma_wait3A_140] : memref<10240x128xf32, #tpu.memory_space<vmem_shared>> -> memref<128x128xf32, #tpu.memory_space<vmem_shared>>
      tpu.wait_dma2 semaphore(%run_scoped3A : memref<!tpu.dma_semaphore, #tpu.memory_space<semaphore_mem>>) src(%arg8 : memref<128x128xf32, #tpu.memory_space<vmem>>) dst(%dma_wait3A_141 : memref<128x128xf32, #tpu.memory_space<vmem_shared>>)
      tpu.yield
    }) : () -> ()
    %barrier3A = arith.constant 0 : index
    tpu.barrier barrier_id(%barrier3A)
    %mul3A_24 = arith.constant 80 : i32
    %mul3A_25 = arith.muli %arg1, %mul3A_24 : i32
    %add3A_26 = arith.constant 0 : i32
    %add3A_27 = arith.addi %mul3A_25, %add3A_26 : i32
    "tpu.region"() ({
      %run_scoped3A = tpu.sem_alloc : memref<!tpu.dma_semaphore, #tpu.memory_space<semaphore_mem>>
      %dma_start3A_134 = arith.constant 0 : i32
      %dma_start3A_135 = tpu.memref_slice %arg3[%arg0, %add3A_27, %dma_start3A_134] : memref<2x1288x128xi32, #tpu.memory_space<hbm>> -> memref<1x48x128xi32, #tpu.memory_space<hbm>>
      %dma_start3A_136 = tpu.memref_squeeze %dma_start3A_135 : memref<1x48x128xi32, #tpu.memory_space<hbm>> -> memref<48x128xi32, #tpu.memory_space<hbm>>
      %dma_start3A_137 = arith.constant 0 : i32
      %dma_start3A_138 = tpu.memref_slice %arg3[%arg0, %add3A_27, %dma_start3A_137] : memref<2x1288x128xi32, #tpu.memory_space<hbm>> -> memref<1x48x128xi32, #tpu.memory_space<hbm>>
      %dma_start3A_139 = tpu.memref_squeeze %dma_start3A_138 : memref<1x48x128xi32, #tpu.memory_space<hbm>> -> memref<48x128xi32, #tpu.memory_space<hbm>>
      tpu.enqueue_dma source(%dma_start3A_139 : memref<48x128xi32, #tpu.memory_space<hbm>>) target(%arg6 : memref<48x128xi32, #tpu.memory_space<vmem>>) target_semaphore(%run_scoped3A : memref<!tpu.dma_semaphore, #tpu.memory_space<semaphore_mem>>)
      %dma_wait3A_140 = arith.constant 0 : i32
      %dma_wait3A_141 = tpu.memref_slice %arg3[%arg0, %add3A_27, %dma_wait3A_140] : memref<2x1288x128xi32, #tpu.memory_space<hbm>> -> memref<1x48x128xi32, #tpu.memory_space<hbm>>
      %dma_wait3A_142 = tpu.memref_squeeze %dma_wait3A_141 : memref<1x48x128xi32, #tpu.memory_space<hbm>> -> memref<48x128xi32, #tpu.memory_space<hbm>>
      %dma_wait3A_143 = arith.constant 0 : i32
      %dma_wait3A_144 = tpu.memref_slice %arg3[%arg0, %add3A_27, %dma_wait3A_143] : memref<2x1288x128xi32, #tpu.memory_space<hbm>> -> memref<1x48x128xi32, #tpu.memory_space<hbm>>
      %dma_wait3A_145 = tpu.memref_squeeze %dma_wait3A_144 : memref<1x48x128xi32, #tpu.memory_space<hbm>> -> memref<48x128xi32, #tpu.memory_space<hbm>>
      tpu.wait_dma2 semaphore(%run_scoped3A : memref<!tpu.dma_semaphore, #tpu.memory_space<semaphore_mem>>) src(%dma_wait3A_145 : memref<48x128xi32, #tpu.memory_space<hbm>>) dst(%arg6 : memref<48x128xi32, #tpu.memory_space<vmem>>)
      tpu.yield
    }) : () -> ()
    "tpu.region"() ({
      %run_scoped3A = tpu.sem_alloc : memref<!tpu.dma_semaphore, #tpu.memory_space<semaphore_mem>>
      %dma_start3A_134 = arith.constant 0 : i32
      %dma_start3A_135 = tpu.memref_slice %arg4[%add3A_27, %dma_start3A_134] : memref<1288x128xi32, #tpu.memory_space<hbm>> -> memref<48x128xi32, #tpu.memory_space<hbm>>
      %dma_start3A_136 = arith.constant 0 : i32
      %dma_start3A_137 = tpu.memref_slice %arg4[%add3A_27, %dma_start3A_136] : memref<1288x128xi32, #tpu.memory_space<hbm>> -> memref<48x128xi32, #tpu.memory_space<hbm>>
      tpu.enqueue_dma source(%dma_start3A_137 : memref<48x128xi32, #tpu.memory_space<hbm>>) target(%arg7 : memref<48x128xi32, #tpu.memory_space<vmem>>) target_semaphore(%run_scoped3A : memref<!tpu.dma_semaphore, #tpu.memory_space<semaphore_mem>>)
      %dma_wait3A_138 = arith.constant 0 : i32
      %dma_wait3A_139 = tpu.memref_slice %arg4[%add3A_27, %dma_wait3A_138] : memref<1288x128xi32, #tpu.memory_space<hbm>> -> memref<48x128xi32, #tpu.memory_space<hbm>>
      %dma_wait3A_140 = arith.constant 0 : i32
      %dma_wait3A_141 = tpu.memref_slice %arg4[%add3A_27, %dma_wait3A_140] : memref<1288x128xi32, #tpu.memory_space<hbm>> -> memref<48x128xi32, #tpu.memory_space<hbm>>
      tpu.wait_dma2 semaphore(%run_scoped3A : memref<!tpu.dma_semaphore, #tpu.memory_space<semaphore_mem>>) src(%dma_wait3A_141 : memref<48x128xi32, #tpu.memory_space<hbm>>) dst(%arg7 : memref<48x128xi32, #tpu.memory_space<vmem>>)
      tpu.yield
    }) : () -> ()
    %dma_start3A = arith.constant 0 : i32
    %dma_start3A_28 = arith.constant 0 : i32
    %dma_start3A_29 = tpu.memref_slice %arg6[%dma_start3A, %dma_start3A_28] : memref<48x128xi32, #tpu.memory_space<vmem>> -> memref<1x128xi32, #tpu.memory_space<vmem>>
    %dma_start3A_30 = tpu.memref_squeeze %dma_start3A_29 : memref<1x128xi32, #tpu.memory_space<vmem>> -> memref<128xi32, #tpu.memory_space<vmem>>
    %dma_start3A_31 = arith.constant 0 : i32
    %dma_start3A_32 = arith.constant 0 : i32
    %dma_start3A_33 = tpu.memref_slice %arg2[%dma_start3A_31, %dma_start3A_32] : memref<20000x128xf32, #tpu.memory_space<hbm>> -> memref<20000x128xf32, #tpu.memory_space<hbm>>
    tpu.enqueue_indirect_dma source(%dma_start3A_33 : memref<20000x128xf32, #tpu.memory_space<hbm>>) target(%arg8 : memref<128x128xf32, #tpu.memory_space<vmem>>) offsets(%dma_start3A_30 : memref<128xi32, #tpu.memory_space<vmem>>) semaphore(%arg11 : memref<!tpu.dma_semaphore, #tpu.memory_space<semaphore_mem>>)
    %dma_start3A_34 = arith.constant 1 : i32
    %dma_start3A_35 = arith.constant 0 : i32
    %dma_start3A_36 = tpu.memref_slice %arg6[%dma_start3A_34, %dma_start3A_35] : memref<48x128xi32, #tpu.memory_space<vmem>> -> memref<1x128xi32, #tpu.memory_space<vmem>>
    %dma_start3A_37 = tpu.memref_squeeze %dma_start3A_36 : memref<1x128xi32, #tpu.memory_space<vmem>> -> memref<128xi32, #tpu.memory_space<vmem>>
    %dma_start3A_38 = arith.constant 0 : i32
    %dma_start3A_39 = arith.constant 0 : i32
    %dma_start3A_40 = tpu.memref_slice %arg2[%dma_start3A_38, %dma_start3A_39] : memref<20000x128xf32, #tpu.memory_space<hbm>> -> memref<20000x128xf32, #tpu.memory_space<hbm>>
    tpu.enqueue_indirect_dma source(%dma_start3A_40 : memref<20000x128xf32, #tpu.memory_space<hbm>>) target(%arg9 : memref<128x128xf32, #tpu.memory_space<vmem>>) offsets(%dma_start3A_37 : memref<128xi32, #tpu.memory_space<vmem>>) semaphore(%arg12 : memref<!tpu.dma_semaphore, #tpu.memory_space<semaphore_mem>>)
    %scan3A_41 = arith.constant 0 : i32
    %scan3A_42 = arith.constant 0 : i32
    %scan3A_43 = arith.constant 20 : i32
    %scan3A_44 = arith.addi %scan3A_42, %scan3A_43 : i32
    %scan3A_45 = arith.constant 1 : i32
    scf.for %scan3A_134 = %scan3A_42 to %scan3A_44 step %scan3A_45  : i32 {
      %mul3A_135 = arith.constant 2 : i32
      %mul3A_136 = arith.muli %scan3A_134, %mul3A_135 : i32
      %dma_wait3A_137 = arith.constant 0 : i32
      %dma_wait3A_138 = tpu.memref_slice %arg6[%mul3A_136, %dma_wait3A_137] : memref<48x128xi32, #tpu.memory_space<vmem>> -> memref<1x128xi32, #tpu.memory_space<vmem>>
      %dma_wait3A_139 = tpu.memref_squeeze %dma_wait3A_138 : memref<1x128xi32, #tpu.memory_space<vmem>> -> memref<128xi32, #tpu.memory_space<vmem>>
      %dma_wait3A_140 = arith.constant 0 : i32
      %dma_wait3A_141 = arith.constant 0 : i32
      %dma_wait3A_142 = tpu.memref_slice %arg2[%dma_wait3A_140, %dma_wait3A_141] : memref<20000x128xf32, #tpu.memory_space<hbm>> -> memref<20000x128xf32, #tpu.memory_space<hbm>>
      tpu.wait_indirect_dma semaphore(%arg11 : memref<!tpu.dma_semaphore, #tpu.memory_space<semaphore_mem>>) src(%dma_wait3A_142 : memref<20000x128xf32, #tpu.memory_space<hbm>>) dst(%arg8 : memref<128x128xf32, #tpu.memory_space<vmem>>)
      "tpu.region"() ({
        %run_scoped3A = tpu.sem_alloc : memref<!tpu.dma_semaphore, #tpu.memory_space<semaphore_mem>>
        %dma_start3A_169 = arith.constant 0 : i32
        %dma_start3A_170 = tpu.memref_slice %arg7[%mul3A_136, %dma_start3A_169] : memref<48x128xi32, #tpu.memory_space<vmem>> -> memref<1x128xi32, #tpu.memory_space<vmem>>
        %dma_start3A_171 = tpu.memref_squeeze %dma_start3A_170 : memref<1x128xi32, #tpu.memory_space<vmem>> -> memref<128xi32, #tpu.memory_space<vmem>>
        %dma_start3A_172 = arith.constant 0 : i32
        %dma_start3A_173 = arith.constant 0 : i32
        %dma_start3A_174 = tpu.memref_slice %arg10[%dma_start3A_172, %dma_start3A_173] : memref<10240x128xf32, #tpu.memory_space<vmem_shared>> -> memref<10240x128xf32, #tpu.memory_space<vmem_shared>>
        tpu.enqueue_indirect_dma source(%arg8 : memref<128x128xf32, #tpu.memory_space<vmem>>) target(%dma_start3A_174 : memref<10240x128xf32, #tpu.memory_space<vmem_shared>>) offsets(%dma_start3A_171 : memref<128xi32, #tpu.memory_space<vmem>>) semaphore(%run_scoped3A : memref<!tpu.dma_semaphore, #tpu.memory_space<semaphore_mem>>) {add = true}
        %dma_wait3A_175 = arith.constant 0 : i32
        %dma_wait3A_176 = tpu.memref_slice %arg7[%mul3A_136, %dma_wait3A_175] : memref<48x128xi32, #tpu.memory_space<vmem>> -> memref<1x128xi32, #tpu.memory_space<vmem>>
        %dma_wait3A_177 = tpu.memref_squeeze %dma_wait3A_176 : memref<1x128xi32, #tpu.memory_space<vmem>> -> memref<128xi32, #tpu.memory_space<vmem>>
        %dma_wait3A_178 = arith.constant 0 : i32
        %dma_wait3A_179 = arith.constant 0 : i32
        %dma_wait3A_180 = tpu.memref_slice %arg10[%dma_wait3A_178, %dma_wait3A_179] : memref<10240x128xf32, #tpu.memory_space<vmem_shared>> -> memref<10240x128xf32, #tpu.memory_space<vmem_shared>>
        tpu.wait_indirect_dma semaphore(%run_scoped3A : memref<!tpu.dma_semaphore, #tpu.memory_space<semaphore_mem>>) src(%arg8 : memref<128x128xf32, #tpu.memory_space<vmem>>) dst(%dma_wait3A_180 : memref<10240x128xf32, #tpu.memory_space<vmem_shared>>)
        tpu.yield
      }) : () -> ()
      %add3A_143 = arith.constant 2 : i32
      %add3A_144 = arith.addi %mul3A_136, %add3A_143 : i32
      %dma_start3A_145 = arith.constant 0 : i32
      %dma_start3A_146 = tpu.memref_slice %arg6[%add3A_144, %dma_start3A_145] : memref<48x128xi32, #tpu.memory_space<vmem>> -> memref<1x128xi32, #tpu.memory_space<vmem>>
      %dma_start3A_147 = tpu.memref_squeeze %dma_start3A_146 : memref<1x128xi32, #tpu.memory_space<vmem>> -> memref<128xi32, #tpu.memory_space<vmem>>
      %dma_start3A_148 = arith.constant 0 : i32
      %dma_start3A_149 = arith.constant 0 : i32
      %dma_start3A_150 = tpu.memref_slice %arg2[%dma_start3A_148, %dma_start3A_149] : memref<20000x128xf32, #tpu.memory_space<hbm>> -> memref<20000x128xf32, #tpu.memory_space<hbm>>
      tpu.enqueue_indirect_dma source(%dma_start3A_150 : memref<20000x128xf32, #tpu.memory_space<hbm>>) target(%arg8 : memref<128x128xf32, #tpu.memory_space<vmem>>) offsets(%dma_start3A_147 : memref<128xi32, #tpu.memory_space<vmem>>) semaphore(%arg11 : memref<!tpu.dma_semaphore, #tpu.memory_space<semaphore_mem>>)
      %add3A_151 = arith.constant 1 : i32
      %add3A_152 = arith.addi %mul3A_136, %add3A_151 : i32
      %dma_wait3A_153 = arith.constant 0 : i32
      %dma_wait3A_154 = tpu.memref_slice %arg6[%add3A_152, %dma_wait3A_153] : memref<48x128xi32, #tpu.memory_space<vmem>> -> memref<1x128xi32, #tpu.memory_space<vmem>>
      %dma_wait3A_155 = tpu.memref_squeeze %dma_wait3A_154 : memref<1x128xi32, #tpu.memory_space<vmem>> -> memref<128xi32, #tpu.memory_space<vmem>>
      %dma_wait3A_156 = arith.constant 0 : i32
      %dma_wait3A_157 = arith.constant 0 : i32
      %dma_wait3A_158 = tpu.memref_slice %arg2[%dma_wait3A_156, %dma_wait3A_157] : memref<20000x128xf32, #tpu.memory_space<hbm>> -> memref<20000x128xf32, #tpu.memory_space<hbm>>
      tpu.wait_indirect_dma semaphore(%arg12 : memref<!tpu.dma_semaphore, #tpu.memory_space<semaphore_mem>>) src(%dma_wait3A_158 : memref<20000x128xf32, #tpu.memory_space<hbm>>) dst(%arg9 : memref<128x128xf32, #tpu.memory_space<vmem>>)
      %add3A_159 = arith.constant 1 : i32
      %add3A_160 = arith.addi %mul3A_136, %add3A_159 : i32
      "tpu.region"() ({
        %run_scoped3A = tpu.sem_alloc : memref<!tpu.dma_semaphore, #tpu.memory_space<semaphore_mem>>
        %dma_start3A_169 = arith.constant 0 : i32
        %dma_start3A_170 = tpu.memref_slice %arg7[%add3A_160, %dma_start3A_169] : memref<48x128xi32, #tpu.memory_space<vmem>> -> memref<1x128xi32, #tpu.memory_space<vmem>>
        %dma_start3A_171 = tpu.memref_squeeze %dma_start3A_170 : memref<1x128xi32, #tpu.memory_space<vmem>> -> memref<128xi32, #tpu.memory_space<vmem>>
        %dma_start3A_172 = arith.constant 0 : i32
        %dma_start3A_173 = arith.constant 0 : i32
        %dma_start3A_174 = tpu.memref_slice %arg10[%dma_start3A_172, %dma_start3A_173] : memref<10240x128xf32, #tpu.memory_space<vmem_shared>> -> memref<10240x128xf32, #tpu.memory_space<vmem_shared>>
        tpu.enqueue_indirect_dma source(%arg9 : memref<128x128xf32, #tpu.memory_space<vmem>>) target(%dma_start3A_174 : memref<10240x128xf32, #tpu.memory_space<vmem_shared>>) offsets(%dma_start3A_171 : memref<128xi32, #tpu.memory_space<vmem>>) semaphore(%run_scoped3A : memref<!tpu.dma_semaphore, #tpu.memory_space<semaphore_mem>>) {add = true}
        %dma_wait3A_175 = arith.constant 0 : i32
        %dma_wait3A_176 = tpu.memref_slice %arg7[%add3A_160, %dma_wait3A_175] : memref<48x128xi32, #tpu.memory_space<vmem>> -> memref<1x128xi32, #tpu.memory_space<vmem>>
        %dma_wait3A_177 = tpu.memref_squeeze %dma_wait3A_176 : memref<1x128xi32, #tpu.memory_space<vmem>> -> memref<128xi32, #tpu.memory_space<vmem>>
        %dma_wait3A_178 = arith.constant 0 : i32
        %dma_wait3A_179 = arith.constant 0 : i32
        %dma_wait3A_180 = tpu.memref_slice %arg10[%dma_wait3A_178, %dma_wait3A_179] : memref<10240x128xf32, #tpu.memory_space<vmem_shared>> -> memref<10240x128xf32, #tpu.memory_space<vmem_shared>>
        tpu.wait_indirect_dma semaphore(%run_scoped3A : memref<!tpu.dma_semaphore, #tpu.memory_space<semaphore_mem>>) src(%arg9 : memref<128x128xf32, #tpu.memory_space<vmem>>) dst(%dma_wait3A_180 : memref<10240x128xf32, #tpu.memory_space<vmem_shared>>)
        tpu.yield
      }) : () -> ()
      %add3A_161 = arith.constant 3 : i32
      %add3A_162 = arith.addi %mul3A_136, %add3A_161 : i32
      %dma_start3A_163 = arith.constant 0 : i32
      %dma_start3A_164 = tpu.memref_slice %arg6[%add3A_162, %dma_start3A_163] : memref<48x128xi32, #tpu.memory_space<vmem>> -> memref<1x128xi32, #tpu.memory_space<vmem>>
      %dma_start3A_165 = tpu.memref_squeeze %dma_start3A_164 : memref<1x128xi32, #tpu.memory_space<vmem>> -> memref<128xi32, #tpu.memory_space<vmem>>
      %dma_start3A_166 = arith.constant 0 : i32
      %dma_start3A_167 = arith.constant 0 : i32
      %dma_start3A_168 = tpu.memref_slice %arg2[%dma_start3A_166, %dma_start3A_167] : memref<20000x128xf32, #tpu.memory_space<hbm>> -> memref<20000x128xf32, #tpu.memory_space<hbm>>
      tpu.enqueue_indirect_dma source(%dma_start3A_168 : memref<20000x128xf32, #tpu.memory_space<hbm>>) target(%arg9 : memref<128x128xf32, #tpu.memory_space<vmem>>) offsets(%dma_start3A_165 : memref<128xi32, #tpu.memory_space<vmem>>) semaphore(%arg12 : memref<!tpu.dma_semaphore, #tpu.memory_space<semaphore_mem>>)
    }
    %scan3A_46 = arith.constant 20 : i32
    %dma_wait3A = arith.constant 0 : i32
    %dma_wait3A_47 = arith.constant 0 : i32
    %dma_wait3A_48 = tpu.memref_slice %arg6[%dma_wait3A, %dma_wait3A_47] : memref<48x128xi32, #tpu.memory_space<vmem>> -> memref<1x128xi32, #tpu.memory_space<vmem>>
    %dma_wait3A_49 = tpu.memref_squeeze %dma_wait3A_48 : memref<1x128xi32, #tpu.memory_space<vmem>> -> memref<128xi32, #tpu.memory_space<vmem>>
    %dma_wait3A_50 = arith.constant 0 : i32
    %dma_wait3A_51 = arith.constant 0 : i32
    %dma_wait3A_52 = tpu.memref_slice %arg2[%dma_wait3A_50, %dma_wait3A_51] : memref<20000x128xf32, #tpu.memory_space<hbm>> -> memref<20000x128xf32, #tpu.memory_space<hbm>>
    tpu.wait_indirect_dma semaphore(%arg11 : memref<!tpu.dma_semaphore, #tpu.memory_space<semaphore_mem>>) src(%dma_wait3A_52 : memref<20000x128xf32, #tpu.memory_space<hbm>>) dst(%arg8 : memref<128x128xf32, #tpu.memory_space<vmem>>)
    %dma_wait3A_53 = arith.constant 1 : i32
    %dma_wait3A_54 = arith.constant 0 : i32
    %dma_wait3A_55 = tpu.memref_slice %arg6[%dma_wait3A_53, %dma_wait3A_54] : memref<48x128xi32, #tpu.memory_space<vmem>> -> memref<1x128xi32, #tpu.memory_space<vmem>>
    %dma_wait3A_56 = tpu.memref_squeeze %dma_wait3A_55 : memref<1x128xi32, #tpu.memory_space<vmem>> -> memref<128xi32, #tpu.memory_space<vmem>>
    %dma_wait3A_57 = arith.constant 0 : i32
    %dma_wait3A_58 = arith.constant 0 : i32
    %dma_wait3A_59 = tpu.memref_slice %arg2[%dma_wait3A_57, %dma_wait3A_58] : memref<20000x128xf32, #tpu.memory_space<hbm>> -> memref<20000x128xf32, #tpu.memory_space<hbm>>
    tpu.wait_indirect_dma semaphore(%arg12 : memref<!tpu.dma_semaphore, #tpu.memory_space<semaphore_mem>>) src(%dma_wait3A_59 : memref<20000x128xf32, #tpu.memory_space<hbm>>) dst(%arg9 : memref<128x128xf32, #tpu.memory_space<vmem>>)
    %mul3A_60 = arith.constant 80 : i32
    %mul3A_61 = arith.muli %arg1, %mul3A_60 : i32
    %add3A_62 = arith.constant 40 : i32
    %add3A_63 = arith.addi %mul3A_61, %add3A_62 : i32
    "tpu.region"() ({
      %run_scoped3A = tpu.sem_alloc : memref<!tpu.dma_semaphore, #tpu.memory_space<semaphore_mem>>
      %dma_start3A_134 = arith.constant 0 : i32
      %dma_start3A_135 = tpu.memref_slice %arg3[%arg0, %add3A_63, %dma_start3A_134] : memref<2x1288x128xi32, #tpu.memory_space<hbm>> -> memref<1x48x128xi32, #tpu.memory_space<hbm>>
      %dma_start3A_136 = tpu.memref_squeeze %dma_start3A_135 : memref<1x48x128xi32, #tpu.memory_space<hbm>> -> memref<48x128xi32, #tpu.memory_space<hbm>>
      %dma_start3A_137 = arith.constant 0 : i32
      %dma_start3A_138 = tpu.memref_slice %arg3[%arg0, %add3A_63, %dma_start3A_137] : memref<2x1288x128xi32, #tpu.memory_space<hbm>> -> memref<1x48x128xi32, #tpu.memory_space<hbm>>
      %dma_start3A_139 = tpu.memref_squeeze %dma_start3A_138 : memref<1x48x128xi32, #tpu.memory_space<hbm>> -> memref<48x128xi32, #tpu.memory_space<hbm>>
      tpu.enqueue_dma source(%dma_start3A_139 : memref<48x128xi32, #tpu.memory_space<hbm>>) target(%arg6 : memref<48x128xi32, #tpu.memory_space<vmem>>) target_semaphore(%run_scoped3A : memref<!tpu.dma_semaphore, #tpu.memory_space<semaphore_mem>>)
      %dma_wait3A_140 = arith.constant 0 : i32
      %dma_wait3A_141 = tpu.memref_slice %arg3[%arg0, %add3A_63, %dma_wait3A_140] : memref<2x1288x128xi32, #tpu.memory_space<hbm>> -> memref<1x48x128xi32, #tpu.memory_space<hbm>>
      %dma_wait3A_142 = tpu.memref_squeeze %dma_wait3A_141 : memref<1x48x128xi32, #tpu.memory_space<hbm>> -> memref<48x128xi32, #tpu.memory_space<hbm>>
      %dma_wait3A_143 = arith.constant 0 : i32
      %dma_wait3A_144 = tpu.memref_slice %arg3[%arg0, %add3A_63, %dma_wait3A_143] : memref<2x1288x128xi32, #tpu.memory_space<hbm>> -> memref<1x48x128xi32, #tpu.memory_space<hbm>>
      %dma_wait3A_145 = tpu.memref_squeeze %dma_wait3A_144 : memref<1x48x128xi32, #tpu.memory_space<hbm>> -> memref<48x128xi32, #tpu.memory_space<hbm>>
      tpu.wait_dma2 semaphore(%run_scoped3A : memref<!tpu.dma_semaphore, #tpu.memory_space<semaphore_mem>>) src(%dma_wait3A_145 : memref<48x128xi32, #tpu.memory_space<hbm>>) dst(%arg6 : memref<48x128xi32, #tpu.memory_space<vmem>>)
      tpu.yield
    }) : () -> ()
    "tpu.region"() ({
      %run_scoped3A = tpu.sem_alloc : memref<!tpu.dma_semaphore, #tpu.memory_space<semaphore_mem>>
      %dma_start3A_134 = arith.constant 0 : i32
      %dma_start3A_135 = tpu.memref_slice %arg4[%add3A_63, %dma_start3A_134] : memref<1288x128xi32, #tpu.memory_space<hbm>> -> memref<48x128xi32, #tpu.memory_space<hbm>>
      %dma_start3A_136 = arith.constant 0 : i32
      %dma_start3A_137 = tpu.memref_slice %arg4[%add3A_63, %dma_start3A_136] : memref<1288x128xi32, #tpu.memory_space<hbm>> -> memref<48x128xi32, #tpu.memory_space<hbm>>
      tpu.enqueue_dma source(%dma_start3A_137 : memref<48x128xi32, #tpu.memory_space<hbm>>) target(%arg7 : memref<48x128xi32, #tpu.memory_space<vmem>>) target_semaphore(%run_scoped3A : memref<!tpu.dma_semaphore, #tpu.memory_space<semaphore_mem>>)
      %dma_wait3A_138 = arith.constant 0 : i32
      %dma_wait3A_139 = tpu.memref_slice %arg4[%add3A_63, %dma_wait3A_138] : memref<1288x128xi32, #tpu.memory_space<hbm>> -> memref<48x128xi32, #tpu.memory_space<hbm>>
      %dma_wait3A_140 = arith.constant 0 : i32
      %dma_wait3A_141 = tpu.memref_slice %arg4[%add3A_63, %dma_wait3A_140] : memref<1288x128xi32, #tpu.memory_space<hbm>> -> memref<48x128xi32, #tpu.memory_space<hbm>>
      tpu.wait_dma2 semaphore(%run_scoped3A : memref<!tpu.dma_semaphore, #tpu.memory_space<semaphore_mem>>) src(%dma_wait3A_141 : memref<48x128xi32, #tpu.memory_space<hbm>>) dst(%arg7 : memref<48x128xi32, #tpu.memory_space<vmem>>)
      tpu.yield
    }) : () -> ()
    %dma_start3A_64 = arith.constant 0 : i32
    %dma_start3A_65 = arith.constant 0 : i32
    %dma_start3A_66 = tpu.memref_slice %arg6[%dma_start3A_64, %dma_start3A_65] : memref<48x128xi32, #tpu.memory_space<vmem>> -> memref<1x128xi32, #tpu.memory_space<vmem>>
    %dma_start3A_67 = tpu.memref_squeeze %dma_start3A_66 : memref<1x128xi32, #tpu.memory_space<vmem>> -> memref<128xi32, #tpu.memory_space<vmem>>
    %dma_start3A_68 = arith.constant 0 : i32
    %dma_start3A_69 = arith.constant 0 : i32
    %dma_start3A_70 = tpu.memref_slice %arg2[%dma_start3A_68, %dma_start3A_69] : memref<20000x128xf32, #tpu.memory_space<hbm>> -> memref<20000x128xf32, #tpu.memory_space<hbm>>
    tpu.enqueue_indirect_dma source(%dma_start3A_70 : memref<20000x128xf32, #tpu.memory_space<hbm>>) target(%arg8 : memref<128x128xf32, #tpu.memory_space<vmem>>) offsets(%dma_start3A_67 : memref<128xi32, #tpu.memory_space<vmem>>) semaphore(%arg11 : memref<!tpu.dma_semaphore, #tpu.memory_space<semaphore_mem>>)
    %dma_start3A_71 = arith.constant 1 : i32
    %dma_start3A_72 = arith.constant 0 : i32
    %dma_start3A_73 = tpu.memref_slice %arg6[%dma_start3A_71, %dma_start3A_72] : memref<48x128xi32, #tpu.memory_space<vmem>> -> memref<1x128xi32, #tpu.memory_space<vmem>>
    %dma_start3A_74 = tpu.memref_squeeze %dma_start3A_73 : memref<1x128xi32, #tpu.memory_space<vmem>> -> memref<128xi32, #tpu.memory_space<vmem>>
    %dma_start3A_75 = arith.constant 0 : i32
    %dma_start3A_76 = arith.constant 0 : i32
    %dma_start3A_77 = tpu.memref_slice %arg2[%dma_start3A_75, %dma_start3A_76] : memref<20000x128xf32, #tpu.memory_space<hbm>> -> memref<20000x128xf32, #tpu.memory_space<hbm>>
    tpu.enqueue_indirect_dma source(%dma_start3A_77 : memref<20000x128xf32, #tpu.memory_space<hbm>>) target(%arg9 : memref<128x128xf32, #tpu.memory_space<vmem>>) offsets(%dma_start3A_74 : memref<128xi32, #tpu.memory_space<vmem>>) semaphore(%arg12 : memref<!tpu.dma_semaphore, #tpu.memory_space<semaphore_mem>>)
    %scan3A_78 = arith.constant 0 : i32
    %scan3A_79 = arith.constant 0 : i32
    %scan3A_80 = arith.constant 20 : i32
    %scan3A_81 = arith.addi %scan3A_79, %scan3A_80 : i32
    %scan3A_82 = arith.constant 1 : i32
    scf.for %scan3A_134 = %scan3A_79 to %scan3A_81 step %scan3A_82  : i32 {
      %mul3A_135 = arith.constant 2 : i32
      %mul3A_136 = arith.muli %scan3A_134, %mul3A_135 : i32
      %dma_wait3A_137 = arith.constant 0 : i32
      %dma_wait3A_138 = tpu.memref_slice %arg6[%mul3A_136, %dma_wait3A_137] : memref<48x128xi32, #tpu.memory_space<vmem>> -> memref<1x128xi32, #tpu.memory_space<vmem>>
      %dma_wait3A_139 = tpu.memref_squeeze %dma_wait3A_138 : memref<1x128xi32, #tpu.memory_space<vmem>> -> memref<128xi32, #tpu.memory_space<vmem>>
      %dma_wait3A_140 = arith.constant 0 : i32
      %dma_wait3A_141 = arith.constant 0 : i32
      %dma_wait3A_142 = tpu.memref_slice %arg2[%dma_wait3A_140, %dma_wait3A_141] : memref<20000x128xf32, #tpu.memory_space<hbm>> -> memref<20000x128xf32, #tpu.memory_space<hbm>>
      tpu.wait_indirect_dma semaphore(%arg11 : memref<!tpu.dma_semaphore, #tpu.memory_space<semaphore_mem>>) src(%dma_wait3A_142 : memref<20000x128xf32, #tpu.memory_space<hbm>>) dst(%arg8 : memref<128x128xf32, #tpu.memory_space<vmem>>)
      "tpu.region"() ({
        %run_scoped3A = tpu.sem_alloc : memref<!tpu.dma_semaphore, #tpu.memory_space<semaphore_mem>>
        %dma_start3A_169 = arith.constant 0 : i32
        %dma_start3A_170 = tpu.memref_slice %arg7[%mul3A_136, %dma_start3A_169] : memref<48x128xi32, #tpu.memory_space<vmem>> -> memref<1x128xi32, #tpu.memory_space<vmem>>
        %dma_start3A_171 = tpu.memref_squeeze %dma_start3A_170 : memref<1x128xi32, #tpu.memory_space<vmem>> -> memref<128xi32, #tpu.memory_space<vmem>>
        %dma_start3A_172 = arith.constant 0 : i32
        %dma_start3A_173 = arith.constant 0 : i32
        %dma_start3A_174 = tpu.memref_slice %arg10[%dma_start3A_172, %dma_start3A_173] : memref<10240x128xf32, #tpu.memory_space<vmem_shared>> -> memref<10240x128xf32, #tpu.memory_space<vmem_shared>>
        tpu.enqueue_indirect_dma source(%arg8 : memref<128x128xf32, #tpu.memory_space<vmem>>) target(%dma_start3A_174 : memref<10240x128xf32, #tpu.memory_space<vmem_shared>>) offsets(%dma_start3A_171 : memref<128xi32, #tpu.memory_space<vmem>>) semaphore(%run_scoped3A : memref<!tpu.dma_semaphore, #tpu.memory_space<semaphore_mem>>) {add = true}
        %dma_wait3A_175 = arith.constant 0 : i32
        %dma_wait3A_176 = tpu.memref_slice %arg7[%mul3A_136, %dma_wait3A_175] : memref<48x128xi32, #tpu.memory_space<vmem>> -> memref<1x128xi32, #tpu.memory_space<vmem>>
        %dma_wait3A_177 = tpu.memref_squeeze %dma_wait3A_176 : memref<1x128xi32, #tpu.memory_space<vmem>> -> memref<128xi32, #tpu.memory_space<vmem>>
        %dma_wait3A_178 = arith.constant 0 : i32
        %dma_wait3A_179 = arith.constant 0 : i32
        %dma_wait3A_180 = tpu.memref_slice %arg10[%dma_wait3A_178, %dma_wait3A_179] : memref<10240x128xf32, #tpu.memory_space<vmem_shared>> -> memref<10240x128xf32, #tpu.memory_space<vmem_shared>>
        tpu.wait_indirect_dma semaphore(%run_scoped3A : memref<!tpu.dma_semaphore, #tpu.memory_space<semaphore_mem>>) src(%arg8 : memref<128x128xf32, #tpu.memory_space<vmem>>) dst(%dma_wait3A_180 : memref<10240x128xf32, #tpu.memory_space<vmem_shared>>)
        tpu.yield
      }) : () -> ()
      %add3A_143 = arith.constant 2 : i32
      %add3A_144 = arith.addi %mul3A_136, %add3A_143 : i32
      %dma_start3A_145 = arith.constant 0 : i32
      %dma_start3A_146 = tpu.memref_slice %arg6[%add3A_144, %dma_start3A_145] : memref<48x128xi32, #tpu.memory_space<vmem>> -> memref<1x128xi32, #tpu.memory_space<vmem>>
      %dma_start3A_147 = tpu.memref_squeeze %dma_start3A_146 : memref<1x128xi32, #tpu.memory_space<vmem>> -> memref<128xi32, #tpu.memory_space<vmem>>
      %dma_start3A_148 = arith.constant 0 : i32
      %dma_start3A_149 = arith.constant 0 : i32
      %dma_start3A_150 = tpu.memref_slice %arg2[%dma_start3A_148, %dma_start3A_149] : memref<20000x128xf32, #tpu.memory_space<hbm>> -> memref<20000x128xf32, #tpu.memory_space<hbm>>
      tpu.enqueue_indirect_dma source(%dma_start3A_150 : memref<20000x128xf32, #tpu.memory_space<hbm>>) target(%arg8 : memref<128x128xf32, #tpu.memory_space<vmem>>) offsets(%dma_start3A_147 : memref<128xi32, #tpu.memory_space<vmem>>) semaphore(%arg11 : memref<!tpu.dma_semaphore, #tpu.memory_space<semaphore_mem>>)
      %add3A_151 = arith.constant 1 : i32
      %add3A_152 = arith.addi %mul3A_136, %add3A_151 : i32
      %dma_wait3A_153 = arith.constant 0 : i32
      %dma_wait3A_154 = tpu.memref_slice %arg6[%add3A_152, %dma_wait3A_153] : memref<48x128xi32, #tpu.memory_space<vmem>> -> memref<1x128xi32, #tpu.memory_space<vmem>>
      %dma_wait3A_155 = tpu.memref_squeeze %dma_wait3A_154 : memref<1x128xi32, #tpu.memory_space<vmem>> -> memref<128xi32, #tpu.memory_space<vmem>>
      %dma_wait3A_156 = arith.constant 0 : i32
      %dma_wait3A_157 = arith.constant 0 : i32
      %dma_wait3A_158 = tpu.memref_slice %arg2[%dma_wait3A_156, %dma_wait3A_157] : memref<20000x128xf32, #tpu.memory_space<hbm>> -> memref<20000x128xf32, #tpu.memory_space<hbm>>
      tpu.wait_indirect_dma semaphore(%arg12 : memref<!tpu.dma_semaphore, #tpu.memory_space<semaphore_mem>>) src(%dma_wait3A_158 : memref<20000x128xf32, #tpu.memory_space<hbm>>) dst(%arg9 : memref<128x128xf32, #tpu.memory_space<vmem>>)
      %add3A_159 = arith.constant 1 : i32
      %add3A_160 = arith.addi %mul3A_136, %add3A_159 : i32
      "tpu.region"() ({
        %run_scoped3A = tpu.sem_alloc : memref<!tpu.dma_semaphore, #tpu.memory_space<semaphore_mem>>
        %dma_start3A_169 = arith.constant 0 : i32
        %dma_start3A_170 = tpu.memref_slice %arg7[%add3A_160, %dma_start3A_169] : memref<48x128xi32, #tpu.memory_space<vmem>> -> memref<1x128xi32, #tpu.memory_space<vmem>>
        %dma_start3A_171 = tpu.memref_squeeze %dma_start3A_170 : memref<1x128xi32, #tpu.memory_space<vmem>> -> memref<128xi32, #tpu.memory_space<vmem>>
        %dma_start3A_172 = arith.constant 0 : i32
        %dma_start3A_173 = arith.constant 0 : i32
        %dma_start3A_174 = tpu.memref_slice %arg10[%dma_start3A_172, %dma_start3A_173] : memref<10240x128xf32, #tpu.memory_space<vmem_shared>> -> memref<10240x128xf32, #tpu.memory_space<vmem_shared>>
        tpu.enqueue_indirect_dma source(%arg9 : memref<128x128xf32, #tpu.memory_space<vmem>>) target(%dma_start3A_174 : memref<10240x128xf32, #tpu.memory_space<vmem_shared>>) offsets(%dma_start3A_171 : memref<128xi32, #tpu.memory_space<vmem>>) semaphore(%run_scoped3A : memref<!tpu.dma_semaphore, #tpu.memory_space<semaphore_mem>>) {add = true}
        %dma_wait3A_175 = arith.constant 0 : i32
        %dma_wait3A_176 = tpu.memref_slice %arg7[%add3A_160, %dma_wait3A_175] : memref<48x128xi32, #tpu.memory_space<vmem>> -> memref<1x128xi32, #tpu.memory_space<vmem>>
        %dma_wait3A_177 = tpu.memref_squeeze %dma_wait3A_176 : memref<1x128xi32, #tpu.memory_space<vmem>> -> memref<128xi32, #tpu.memory_space<vmem>>
        %dma_wait3A_178 = arith.constant 0 : i32
        %dma_wait3A_179 = arith.constant 0 : i32
        %dma_wait3A_180 = tpu.memref_slice %arg10[%dma_wait3A_178, %dma_wait3A_179] : memref<10240x128xf32, #tpu.memory_space<vmem_shared>> -> memref<10240x128xf32, #tpu.memory_space<vmem_shared>>
        tpu.wait_indirect_dma semaphore(%run_scoped3A : memref<!tpu.dma_semaphore, #tpu.memory_space<semaphore_mem>>) src(%arg9 : memref<128x128xf32, #tpu.memory_space<vmem>>) dst(%dma_wait3A_180 : memref<10240x128xf32, #tpu.memory_space<vmem_shared>>)
        tpu.yield
      }) : () -> ()
      %add3A_161 = arith.constant 3 : i32
      %add3A_162 = arith.addi %mul3A_136, %add3A_161 : i32
      %dma_start3A_163 = arith.constant 0 : i32
      %dma_start3A_164 = tpu.memref_slice %arg6[%add3A_162, %dma_start3A_163] : memref<48x128xi32, #tpu.memory_space<vmem>> -> memref<1x128xi32, #tpu.memory_space<vmem>>
      %dma_start3A_165 = tpu.memref_squeeze %dma_start3A_164 : memref<1x128xi32, #tpu.memory_space<vmem>> -> memref<128xi32, #tpu.memory_space<vmem>>
      %dma_start3A_166 = arith.constant 0 : i32
      %dma_start3A_167 = arith.constant 0 : i32
      %dma_start3A_168 = tpu.memref_slice %arg2[%dma_start3A_166, %dma_start3A_167] : memref<20000x128xf32, #tpu.memory_space<hbm>> -> memref<20000x128xf32, #tpu.memory_space<hbm>>
      tpu.enqueue_indirect_dma source(%dma_start3A_168 : memref<20000x128xf32, #tpu.memory_space<hbm>>) target(%arg9 : memref<128x128xf32, #tpu.memory_space<vmem>>) offsets(%dma_start3A_165 : memref<128xi32, #tpu.memory_space<vmem>>) semaphore(%arg12 : memref<!tpu.dma_semaphore, #tpu.memory_space<semaphore_mem>>)
    }
    %scan3A_83 = arith.constant 20 : i32
    %dma_wait3A_84 = arith.constant 0 : i32
    %dma_wait3A_85 = arith.constant 0 : i32
    %dma_wait3A_86 = tpu.memref_slice %arg6[%dma_wait3A_84, %dma_wait3A_85] : memref<48x128xi32, #tpu.memory_space<vmem>> -> memref<1x128xi32, #tpu.memory_space<vmem>>
    %dma_wait3A_87 = tpu.memref_squeeze %dma_wait3A_86 : memref<1x128xi32, #tpu.memory_space<vmem>> -> memref<128xi32, #tpu.memory_space<vmem>>
    %dma_wait3A_88 = arith.constant 0 : i32
    %dma_wait3A_89 = arith.constant 0 : i32
    %dma_wait3A_90 = tpu.memref_slice %arg2[%dma_wait3A_88, %dma_wait3A_89] : memref<20000x128xf32, #tpu.memory_space<hbm>> -> memref<20000x128xf32, #tpu.memory_space<hbm>>
    tpu.wait_indirect_dma semaphore(%arg11 : memref<!tpu.dma_semaphore, #tpu.memory_space<semaphore_mem>>) src(%dma_wait3A_90 : memref<20000x128xf32, #tpu.memory_space<hbm>>) dst(%arg8 : memref<128x128xf32, #tpu.memory_space<vmem>>)
    %dma_wait3A_91 = arith.constant 1 : i32
    %dma_wait3A_92 = arith.constant 0 : i32
    %dma_wait3A_93 = tpu.memref_slice %arg6[%dma_wait3A_91, %dma_wait3A_92] : memref<48x128xi32, #tpu.memory_space<vmem>> -> memref<1x128xi32, #tpu.memory_space<vmem>>
    %dma_wait3A_94 = tpu.memref_squeeze %dma_wait3A_93 : memref<1x128xi32, #tpu.memory_space<vmem>> -> memref<128xi32, #tpu.memory_space<vmem>>
    %dma_wait3A_95 = arith.constant 0 : i32
    %dma_wait3A_96 = arith.constant 0 : i32
    %dma_wait3A_97 = tpu.memref_slice %arg2[%dma_wait3A_95, %dma_wait3A_96] : memref<20000x128xf32, #tpu.memory_space<hbm>> -> memref<20000x128xf32, #tpu.memory_space<hbm>>
    tpu.wait_indirect_dma semaphore(%arg12 : memref<!tpu.dma_semaphore, #tpu.memory_space<semaphore_mem>>) src(%dma_wait3A_97 : memref<20000x128xf32, #tpu.memory_space<hbm>>) dst(%arg9 : memref<128x128xf32, #tpu.memory_space<vmem>>)
    %barrier3A_98 = arith.constant 0 : index
    tpu.barrier barrier_id(%barrier3A_98)
    %mul3A_99 = arith.constant 640 : i32
    %mul3A_100 = arith.muli %arg1, %mul3A_99 : i32
    %add3A_101 = arith.constant 0 : i32
    %add3A_102 = arith.addi %mul3A_100, %add3A_101 : i32
    "tpu.region"() ({
      %run_scoped3A = tpu.sem_alloc : memref<!tpu.dma_semaphore, #tpu.memory_space<semaphore_mem>>
      %dma_start3A_134 = arith.constant 0 : i32
      %dma_start3A_135 = tpu.memref_slice %arg10[%add3A_102, %dma_start3A_134] : memref<10240x128xf32, #tpu.memory_space<vmem_shared>> -> memref<128x128xf32, #tpu.memory_space<vmem_shared>>
      %dma_start3A_136 = arith.constant 0 : i32
      %dma_start3A_137 = tpu.memref_slice %arg10[%add3A_102, %dma_start3A_136] : memref<10240x128xf32, #tpu.memory_space<vmem_shared>> -> memref<128x128xf32, #tpu.memory_space<vmem_shared>>
      tpu.enqueue_dma source(%dma_start3A_137 : memref<128x128xf32, #tpu.memory_space<vmem_shared>>) target(%arg8 : memref<128x128xf32, #tpu.memory_space<vmem>>) target_semaphore(%run_scoped3A : memref<!tpu.dma_semaphore, #tpu.memory_space<semaphore_mem>>)
      %dma_wait3A_138 = arith.constant 0 : i32
      %dma_wait3A_139 = tpu.memref_slice %arg10[%add3A_102, %dma_wait3A_138] : memref<10240x128xf32, #tpu.memory_space<vmem_shared>> -> memref<128x128xf32, #tpu.memory_space<vmem_shared>>
      %dma_wait3A_140 = arith.constant 0 : i32
      %dma_wait3A_141 = tpu.memref_slice %arg10[%add3A_102, %dma_wait3A_140] : memref<10240x128xf32, #tpu.memory_space<vmem_shared>> -> memref<128x128xf32, #tpu.memory_space<vmem_shared>>
      tpu.wait_dma2 semaphore(%run_scoped3A : memref<!tpu.dma_semaphore, #tpu.memory_space<semaphore_mem>>) src(%dma_wait3A_141 : memref<128x128xf32, #tpu.memory_space<vmem_shared>>) dst(%arg8 : memref<128x128xf32, #tpu.memory_space<vmem>>)
      tpu.yield
    }) : () -> ()
    %mul3A_103 = arith.constant 10240 : i32
    %mul3A_104 = arith.muli %arg0, %mul3A_103 : i32
    %add3A_105 = arith.addi %mul3A_104, %add3A_102 : i32
    "tpu.region"() ({
      %run_scoped3A = tpu.sem_alloc : memref<!tpu.dma_semaphore, #tpu.memory_space<semaphore_mem>>
      %dma_start3A_134 = arith.constant 0 : i32
      %dma_start3A_135 = tpu.memref_slice %arg5[%add3A_105, %dma_start3A_134] : memref<20480x128xf32, #tpu.memory_space<hbm>> -> memref<128x128xf32, #tpu.memory_space<hbm>>
      %dma_start3A_136 = arith.constant 0 : i32
      %dma_start3A_137 = tpu.memref_slice %arg5[%add3A_105, %dma_start3A_136] : memref<20480x128xf32, #tpu.memory_space<hbm>> -> memref<128x128xf32, #tpu.memory_space<hbm>>
      tpu.enqueue_dma source(%arg8 : memref<128x128xf32, #tpu.memory_space<vmem>>) target(%dma_start3A_137 : memref<128x128xf32, #tpu.memory_space<hbm>>) target_semaphore(%run_scoped3A : memref<!tpu.dma_semaphore, #tpu.memory_space<semaphore_mem>>)
      %dma_wait3A_138 = arith.constant 0 : i32
      %dma_wait3A_139 = tpu.memref_slice %arg5[%add3A_105, %dma_wait3A_138] : memref<20480x128xf32, #tpu.memory_space<hbm>> -> memref<128x128xf32, #tpu.memory_space<hbm>>
      %dma_wait3A_140 = arith.constant 0 : i32
      %dma_wait3A_141 = tpu.memref_slice %arg5[%add3A_105, %dma_wait3A_140] : memref<20480x128xf32, #tpu.memory_space<hbm>> -> memref<128x128xf32, #tpu.memory_space<hbm>>
      tpu.wait_dma2 semaphore(%run_scoped3A : memref<!tpu.dma_semaphore, #tpu.memory_space<semaphore_mem>>) src(%arg8 : memref<128x128xf32, #tpu.memory_space<vmem>>) dst(%dma_wait3A_141 : memref<128x128xf32, #tpu.memory_space<hbm>>)
      tpu.yield
    }) : () -> ()
    %mul3A_106 = arith.constant 640 : i32
    %mul3A_107 = arith.muli %arg1, %mul3A_106 : i32
    %add3A_108 = arith.constant 128 : i32
    %add3A_109 = arith.addi %mul3A_107, %add3A_108 : i32
    "tpu.region"() ({
      %run_scoped3A = tpu.sem_alloc : memref<!tpu.dma_semaphore, #tpu.memory_space<semaphore_mem>>
      %dma_start3A_134 = arith.constant 0 : i32
      %dma_start3A_135 = tpu.memref_slice %arg10[%add3A_109, %dma_start3A_134] : memref<10240x128xf32, #tpu.memory_space<vmem_shared>> -> memref<128x128xf32, #tpu.memory_space<vmem_shared>>
      %dma_start3A_136 = arith.constant 0 : i32
      %dma_start3A_137 = tpu.memref_slice %arg10[%add3A_109, %dma_start3A_136] : memref<10240x128xf32, #tpu.memory_space<vmem_shared>> -> memref<128x128xf32, #tpu.memory_space<vmem_shared>>
      tpu.enqueue_dma source(%dma_start3A_137 : memref<128x128xf32, #tpu.memory_space<vmem_shared>>) target(%arg9 : memref<128x128xf32, #tpu.memory_space<vmem>>) target_semaphore(%run_scoped3A : memref<!tpu.dma_semaphore, #tpu.memory_space<semaphore_mem>>)
      %dma_wait3A_138 = arith.constant 0 : i32
      %dma_wait3A_139 = tpu.memref_slice %arg10[%add3A_109, %dma_wait3A_138] : memref<10240x128xf32, #tpu.memory_space<vmem_shared>> -> memref<128x128xf32, #tpu.memory_space<vmem_shared>>
      %dma_wait3A_140 = arith.constant 0 : i32
      %dma_wait3A_141 = tpu.memref_slice %arg10[%add3A_109, %dma_wait3A_140] : memref<10240x128xf32, #tpu.memory_space<vmem_shared>> -> memref<128x128xf32, #tpu.memory_space<vmem_shared>>
      tpu.wait_dma2 semaphore(%run_scoped3A : memref<!tpu.dma_semaphore, #tpu.memory_space<semaphore_mem>>) src(%dma_wait3A_141 : memref<128x128xf32, #tpu.memory_space<vmem_shared>>) dst(%arg9 : memref<128x128xf32, #tpu.memory_space<vmem>>)
      tpu.yield
    }) : () -> ()
    %mul3A_110 = arith.constant 10240 : i32
    %mul3A_111 = arith.muli %arg0, %mul3A_110 : i32
    %add3A_112 = arith.addi %mul3A_111, %add3A_109 : i32
    "tpu.region"() ({
      %run_scoped3A = tpu.sem_alloc : memref<!tpu.dma_semaphore, #tpu.memory_space<semaphore_mem>>
      %dma_start3A_134 = arith.constant 0 : i32
      %dma_start3A_135 = tpu.memref_slice %arg5[%add3A_112, %dma_start3A_134] : memref<20480x128xf32, #tpu.memory_space<hbm>> -> memref<128x128xf32, #tpu.memory_space<hbm>>
      %dma_start3A_136 = arith.constant 0 : i32
      %dma_start3A_137 = tpu.memref_slice %arg5[%add3A_112, %dma_start3A_136] : memref<20480x128xf32, #tpu.memory_space<hbm>> -> memref<128x128xf32, #tpu.memory_space<hbm>>
      tpu.enqueue_dma source(%arg9 : memref<128x128xf32, #tpu.memory_space<vmem>>) target(%dma_start3A_137 : memref<128x128xf32, #tpu.memory_space<hbm>>) target_semaphore(%run_scoped3A : memref<!tpu.dma_semaphore, #tpu.memory_space<semaphore_mem>>)
      %dma_wait3A_138 = arith.constant 0 : i32
      %dma_wait3A_139 = tpu.memref_slice %arg5[%add3A_112, %dma_wait3A_138] : memref<20480x128xf32, #tpu.memory_space<hbm>> -> memref<128x128xf32, #tpu.memory_space<hbm>>
      %dma_wait3A_140 = arith.constant 0 : i32
      %dma_wait3A_141 = tpu.memref_slice %arg5[%add3A_112, %dma_wait3A_140] : memref<20480x128xf32, #tpu.memory_space<hbm>> -> memref<128x128xf32, #tpu.memory_space<hbm>>
      tpu.wait_dma2 semaphore(%run_scoped3A : memref<!tpu.dma_semaphore, #tpu.memory_space<semaphore_mem>>) src(%arg9 : memref<128x128xf32, #tpu.memory_space<vmem>>) dst(%dma_wait3A_141 : memref<128x128xf32, #tpu.memory_space<hbm>>)
      tpu.yield
    }) : () -> ()
    %mul3A_113 = arith.constant 640 : i32
    %mul3A_114 = arith.muli %arg1, %mul3A_113 : i32
    %add3A_115 = arith.constant 256 : i32
    %add3A_116 = arith.addi %mul3A_114, %add3A_115 : i32
    "tpu.region"() ({
      %run_scoped3A = tpu.sem_alloc : memref<!tpu.dma_semaphore, #tpu.memory_space<semaphore_mem>>
      %dma_start3A_134 = arith.constant 0 : i32
      %dma_start3A_135 = tpu.memref_slice %arg10[%add3A_116, %dma_start3A_134] : memref<10240x128xf32, #tpu.memory_space<vmem_shared>> -> memref<128x128xf32, #tpu.memory_space<vmem_shared>>
      %dma_start3A_136 = arith.constant 0 : i32
      %dma_start3A_137 = tpu.memref_slice %arg10[%add3A_116, %dma_start3A_136] : memref<10240x128xf32, #tpu.memory_space<vmem_shared>> -> memref<128x128xf32, #tpu.memory_space<vmem_shared>>
      tpu.enqueue_dma source(%dma_start3A_137 : memref<128x128xf32, #tpu.memory_space<vmem_shared>>) target(%arg8 : memref<128x128xf32, #tpu.memory_space<vmem>>) target_semaphore(%run_scoped3A : memref<!tpu.dma_semaphore, #tpu.memory_space<semaphore_mem>>)
      %dma_wait3A_138 = arith.constant 0 : i32
      %dma_wait3A_139 = tpu.memref_slice %arg10[%add3A_116, %dma_wait3A_138] : memref<10240x128xf32, #tpu.memory_space<vmem_shared>> -> memref<128x128xf32, #tpu.memory_space<vmem_shared>>
      %dma_wait3A_140 = arith.constant 0 : i32
      %dma_wait3A_141 = tpu.memref_slice %arg10[%add3A_116, %dma_wait3A_140] : memref<10240x128xf32, #tpu.memory_space<vmem_shared>> -> memref<128x128xf32, #tpu.memory_space<vmem_shared>>
      tpu.wait_dma2 semaphore(%run_scoped3A : memref<!tpu.dma_semaphore, #tpu.memory_space<semaphore_mem>>) src(%dma_wait3A_141 : memref<128x128xf32, #tpu.memory_space<vmem_shared>>) dst(%arg8 : memref<128x128xf32, #tpu.memory_space<vmem>>)
      tpu.yield
    }) : () -> ()
    %mul3A_117 = arith.constant 10240 : i32
    %mul3A_118 = arith.muli %arg0, %mul3A_117 : i32
    %add3A_119 = arith.addi %mul3A_118, %add3A_116 : i32
    "tpu.region"() ({
      %run_scoped3A = tpu.sem_alloc : memref<!tpu.dma_semaphore, #tpu.memory_space<semaphore_mem>>
      %dma_start3A_134 = arith.constant 0 : i32
      %dma_start3A_135 = tpu.memref_slice %arg5[%add3A_119, %dma_start3A_134] : memref<20480x128xf32, #tpu.memory_space<hbm>> -> memref<128x128xf32, #tpu.memory_space<hbm>>
      %dma_start3A_136 = arith.constant 0 : i32
      %dma_start3A_137 = tpu.memref_slice %arg5[%add3A_119, %dma_start3A_136] : memref<20480x128xf32, #tpu.memory_space<hbm>> -> memref<128x128xf32, #tpu.memory_space<hbm>>
      tpu.enqueue_dma source(%arg8 : memref<128x128xf32, #tpu.memory_space<vmem>>) target(%dma_start3A_137 : memref<128x128xf32, #tpu.memory_space<hbm>>) target_semaphore(%run_scoped3A : memref<!tpu.dma_semaphore, #tpu.memory_space<semaphore_mem>>)
      %dma_wait3A_138 = arith.constant 0 : i32
      %dma_wait3A_139 = tpu.memref_slice %arg5[%add3A_119, %dma_wait3A_138] : memref<20480x128xf32, #tpu.memory_space<hbm>> -> memref<128x128xf32, #tpu.memory_space<hbm>>
      %dma_wait3A_140 = arith.constant 0 : i32
      %dma_wait3A_141 = tpu.memref_slice %arg5[%add3A_119, %dma_wait3A_140] : memref<20480x128xf32, #tpu.memory_space<hbm>> -> memref<128x128xf32, #tpu.memory_space<hbm>>
      tpu.wait_dma2 semaphore(%run_scoped3A : memref<!tpu.dma_semaphore, #tpu.memory_space<semaphore_mem>>) src(%arg8 : memref<128x128xf32, #tpu.memory_space<vmem>>) dst(%dma_wait3A_141 : memref<128x128xf32, #tpu.memory_space<hbm>>)
      tpu.yield
    }) : () -> ()
    %mul3A_120 = arith.constant 640 : i32
    %mul3A_121 = arith.muli %arg1, %mul3A_120 : i32
    %add3A_122 = arith.constant 384 : i32
    %add3A_123 = arith.addi %mul3A_121, %add3A_122 : i32
    "tpu.region"() ({
      %run_scoped3A = tpu.sem_alloc : memref<!tpu.dma_semaphore, #tpu.memory_space<semaphore_mem>>
      %dma_start3A_134 = arith.constant 0 : i32
      %dma_start3A_135 = tpu.memref_slice %arg10[%add3A_123, %dma_start3A_134] : memref<10240x128xf32, #tpu.memory_space<vmem_shared>> -> memref<128x128xf32, #tpu.memory_space<vmem_shared>>
      %dma_start3A_136 = arith.constant 0 : i32
      %dma_start3A_137 = tpu.memref_slice %arg10[%add3A_123, %dma_start3A_136] : memref<10240x128xf32, #tpu.memory_space<vmem_shared>> -> memref<128x128xf32, #tpu.memory_space<vmem_shared>>
      tpu.enqueue_dma source(%dma_start3A_137 : memref<128x128xf32, #tpu.memory_space<vmem_shared>>) target(%arg9 : memref<128x128xf32, #tpu.memory_space<vmem>>) target_semaphore(%run_scoped3A : memref<!tpu.dma_semaphore, #tpu.memory_space<semaphore_mem>>)
      %dma_wait3A_138 = arith.constant 0 : i32
      %dma_wait3A_139 = tpu.memref_slice %arg10[%add3A_123, %dma_wait3A_138] : memref<10240x128xf32, #tpu.memory_space<vmem_shared>> -> memref<128x128xf32, #tpu.memory_space<vmem_shared>>
      %dma_wait3A_140 = arith.constant 0 : i32
      %dma_wait3A_141 = tpu.memref_slice %arg10[%add3A_123, %dma_wait3A_140] : memref<10240x128xf32, #tpu.memory_space<vmem_shared>> -> memref<128x128xf32, #tpu.memory_space<vmem_shared>>
      tpu.wait_dma2 semaphore(%run_scoped3A : memref<!tpu.dma_semaphore, #tpu.memory_space<semaphore_mem>>) src(%dma_wait3A_141 : memref<128x128xf32, #tpu.memory_space<vmem_shared>>) dst(%arg9 : memref<128x128xf32, #tpu.memory_space<vmem>>)
      tpu.yield
    }) : () -> ()
    %mul3A_124 = arith.constant 10240 : i32
    %mul3A_125 = arith.muli %arg0, %mul3A_124 : i32
    %add3A_126 = arith.addi %mul3A_125, %add3A_123 : i32
    "tpu.region"() ({
      %run_scoped3A = tpu.sem_alloc : memref<!tpu.dma_semaphore, #tpu.memory_space<semaphore_mem>>
      %dma_start3A_134 = arith.constant 0 : i32
      %dma_start3A_135 = tpu.memref_slice %arg5[%add3A_126, %dma_start3A_134] : memref<20480x128xf32, #tpu.memory_space<hbm>> -> memref<128x128xf32, #tpu.memory_space<hbm>>
      %dma_start3A_136 = arith.constant 0 : i32
      %dma_start3A_137 = tpu.memref_slice %arg5[%add3A_126, %dma_start3A_136] : memref<20480x128xf32, #tpu.memory_space<hbm>> -> memref<128x128xf32, #tpu.memory_space<hbm>>
      tpu.enqueue_dma source(%arg9 : memref<128x128xf32, #tpu.memory_space<vmem>>) target(%dma_start3A_137 : memref<128x128xf32, #tpu.memory_space<hbm>>) target_semaphore(%run_scoped3A : memref<!tpu.dma_semaphore, #tpu.memory_space<semaphore_mem>>)
      %dma_wait3A_138 = arith.constant 0 : i32
      %dma_wait3A_139 = tpu.memref_slice %arg5[%add3A_126, %dma_wait3A_138] : memref<20480x128xf32, #tpu.memory_space<hbm>> -> memref<128x128xf32, #tpu.memory_space<hbm>>
      %dma_wait3A_140 = arith.constant 0 : i32
      %dma_wait3A_141 = tpu.memref_slice %arg5[%add3A_126, %dma_wait3A_140] : memref<20480x128xf32, #tpu.memory_space<hbm>> -> memref<128x128xf32, #tpu.memory_space<hbm>>
      tpu.wait_dma2 semaphore(%run_scoped3A : memref<!tpu.dma_semaphore, #tpu.memory_space<semaphore_mem>>) src(%arg9 : memref<128x128xf32, #tpu.memory_space<vmem>>) dst(%dma_wait3A_141 : memref<128x128xf32, #tpu.memory_space<hbm>>)
      tpu.yield
    }) : () -> ()
    %mul3A_127 = arith.constant 640 : i32
    %mul3A_128 = arith.muli %arg1, %mul3A_127 : i32
    %add3A_129 = arith.constant 512 : i32
    %add3A_130 = arith.addi %mul3A_128, %add3A_129 : i32
    "tpu.region"() ({
      %run_scoped3A = tpu.sem_alloc : memref<!tpu.dma_semaphore, #tpu.memory_space<semaphore_mem>>
      %dma_start3A_134 = arith.constant 0 : i32
      %dma_start3A_135 = tpu.memref_slice %arg10[%add3A_130, %dma_start3A_134] : memref<10240x128xf32, #tpu.memory_space<vmem_shared>> -> memref<128x128xf32, #tpu.memory_space<vmem_shared>>
      %dma_start3A_136 = arith.constant 0 : i32
      %dma_start3A_137 = tpu.memref_slice %arg10[%add3A_130, %dma_start3A_136] : memref<10240x128xf32, #tpu.memory_space<vmem_shared>> -> memref<128x128xf32, #tpu.memory_space<vmem_shared>>
      tpu.enqueue_dma source(%dma_start3A_137 : memref<128x128xf32, #tpu.memory_space<vmem_shared>>) target(%arg8 : memref<128x128xf32, #tpu.memory_space<vmem>>) target_semaphore(%run_scoped3A : memref<!tpu.dma_semaphore, #tpu.memory_space<semaphore_mem>>)
      %dma_wait3A_138 = arith.constant 0 : i32
      %dma_wait3A_139 = tpu.memref_slice %arg10[%add3A_130, %dma_wait3A_138] : memref<10240x128xf32, #tpu.memory_space<vmem_shared>> -> memref<128x128xf32, #tpu.memory_space<vmem_shared>>
      %dma_wait3A_140 = arith.constant 0 : i32
      %dma_wait3A_141 = tpu.memref_slice %arg10[%add3A_130, %dma_wait3A_140] : memref<10240x128xf32, #tpu.memory_space<vmem_shared>> -> memref<128x128xf32, #tpu.memory_space<vmem_shared>>
      tpu.wait_dma2 semaphore(%run_scoped3A : memref<!tpu.dma_semaphore, #tpu.memory_space<semaphore_mem>>) src(%dma_wait3A_141 : memref<128x128xf32, #tpu.memory_space<vmem_shared>>) dst(%arg8 : memref<128x128xf32, #tpu.memory_space<vmem>>)
      tpu.yield
    }) : () -> ()
    %mul3A_131 = arith.constant 10240 : i32
    %mul3A_132 = arith.muli %arg0, %mul3A_131 : i32
    %add3A_133 = arith.addi %mul3A_132, %add3A_130 : i32
    "tpu.region"() ({
      %run_scoped3A = tpu.sem_alloc : memref<!tpu.dma_semaphore, #tpu.memory_space<semaphore_mem>>
      %dma_start3A_134 = arith.constant 0 : i32
      %dma_start3A_135 = tpu.memref_slice %arg5[%add3A_133, %dma_start3A_134] : memref<20480x128xf32, #tpu.memory_space<hbm>> -> memref<128x128xf32, #tpu.memory_space<hbm>>
      %dma_start3A_136 = arith.constant 0 : i32
      %dma_start3A_137 = tpu.memref_slice %arg5[%add3A_133, %dma_start3A_136] : memref<20480x128xf32, #tpu.memory_space<hbm>> -> memref<128x128xf32, #tpu.memory_space<hbm>>
      tpu.enqueue_dma source(%arg8 : memref<128x128xf32, #tpu.memory_space<vmem>>) target(%dma_start3A_137 : memref<128x128xf32, #tpu.memory_space<hbm>>) target_semaphore(%run_scoped3A : memref<!tpu.dma_semaphore, #tpu.memory_space<semaphore_mem>>)
      %dma_wait3A_138 = arith.constant 0 : i32
      %dma_wait3A_139 = tpu.memref_slice %arg5[%add3A_133, %dma_wait3A_138] : memref<20480x128xf32, #tpu.memory_space<hbm>> -> memref<128x128xf32, #tpu.memory_space<hbm>>
      %dma_wait3A_140 = arith.constant 0 : i32
      %dma_wait3A_141 = tpu.memref_slice %arg5[%add3A_133, %dma_wait3A_140] : memref<20480x128xf32, #tpu.memory_space<hbm>> -> memref<128x128xf32, #tpu.memory_space<hbm>>
      tpu.wait_dma2 semaphore(%run_scoped3A : memref<!tpu.dma_semaphore, #tpu.memory_space<semaphore_mem>>) src(%arg8 : memref<128x128xf32, #tpu.memory_space<vmem>>) dst(%dma_wait3A_141 : memref<128x128xf32, #tpu.memory_space<hbm>>)
      tpu.yield
    }) : () -> ()
    return
  }
}

module attributes {stable_mosaic.version = 14 : i64} {
  func.func @_scale_body(%arg0: i32, %arg1: i32, %arg2: memref<2000x128xf32, #tpu.memory_space<vmem>>, %arg3: memref<2000x1xf32, #tpu.memory_space<vmem>>, %arg4: memref<2000x128xf32, #tpu.memory_space<vmem>>) attributes {dimension_semantics = [#tpu.dimension_semantics<arbitrary>, #tpu.dimension_semantics<arbitrary>], iteration_bounds = array<i64: 2, 5>, scalar_prefetch = 0 : i64, scratch_operands = 0 : i64, tpu.core_type = #tpu.core_type<tc>, window_params = [{transform_indices = @transform_0, window_bounds = array<i64: 2000, 128>}, {transform_indices = @transform_1, window_bounds = array<i64: 2000, 1>}, {transform_indices = @transform_2, window_bounds = array<i64: 2000, 128>}]} {
    %get3A = arith.constant 0 : index
    %get3A_0 = arith.constant 0 : index
    %get3A_1 = vector.load %arg2[%get3A, %get3A_0] : memref<2000x128xf32, #tpu.memory_space<vmem>>, vector<2000x128xf32>
    %get3A_2 = arith.constant 0 : index
    %get3A_3 = arith.constant 0 : index
    %get3A_4 = vector.load %arg3[%get3A_2, %get3A_3] : memref<2000x1xf32, #tpu.memory_space<vmem>>, vector<2000x1xf32>
    %mul3A = vector.broadcast %get3A_4 : vector<2000x1xf32> to vector<2000x128xf32>
    %mul3A_5 = arith.mulf %get3A_1, %mul3A : vector<2000x128xf32>
    %swap3A = arith.constant 0 : index
    %swap3A_6 = arith.constant 0 : index
    %swap3A_7 = vector.load %arg4[%swap3A, %swap3A_6] : memref<2000x128xf32, #tpu.memory_space<vmem>>, vector<2000x128xf32>
    tpu.vector_store %arg4[%swap3A, %swap3A_6], %mul3A_5 {strides = array<i32>} : memref<2000x128xf32, #tpu.memory_space<vmem>>, vector<2000x128xf32>,
    return
  }
  func.func @transform_0(%arg0: i32, %arg1: i32) -> (i32, i32) {
    %c0_i32 = arith.constant 0 : i32
    return %arg1, %arg0 : i32, i32
  }
  func.func @transform_1(%arg0: i32, %arg1: i32) -> (i32, i32) {
    %c0_i32 = arith.constant 0 : i32
    %c0_i32_0 = arith.constant 0 : i32
    return %arg1, %c0_i32 : i32, i32
  }
  func.func @transform_2(%arg0: i32, %arg1: i32) -> (i32, i32) {
    %mul3A = arith.constant 5 : i32
    %mul3A_0 = arith.muli %arg0, %mul3A : i32
    %add3A = arith.addi %mul3A_0, %arg1 : i32
    %c0_i32 = arith.constant 0 : i32
    %c0_i32_1 = arith.constant 0 : i32
    return %add3A, %c0_i32 : i32, i32
  }
}

module attributes {stable_mosaic.version = 14 : i64} {
  func.func @_epilogue_body(%arg0: i32, %arg1: memref<640x128xf32, #tpu.memory_space<vmem>>, %arg2: memref<640x128xf32, #tpu.memory_space<vmem>>, %arg3: memref<256x256xf32, #tpu.memory_space<vmem>>, %arg4: memref<1x256xf32, #tpu.memory_space<vmem>>, %arg5: memref<640x1xf32, #tpu.memory_space<vmem>>, %arg6: memref<640x256xf32, #tpu.memory_space<vmem>>) attributes {dimension_semantics = [#tpu.dimension_semantics<arbitrary>], iteration_bounds = array<i64: 16>, scalar_prefetch = 0 : i64, scratch_operands = 0 : i64, tpu.core_type = #tpu.core_type<tc>, window_params = [{transform_indices = @transform_0, window_bounds = array<i64: 640, 128>}, {transform_indices = @transform_1, window_bounds = array<i64: 640, 128>}, {pipeline_mode = #tpu.pipeline_mode<synchronous>, transform_indices = @transform_2, window_bounds = array<i64: 256, 256>}, {pipeline_mode = #tpu.pipeline_mode<synchronous>, transform_indices = @transform_3, window_bounds = array<i64: 1, 256>}, {transform_indices = @transform_4, window_bounds = array<i64: 640, 1>}, {transform_indices = @transform_5, window_bounds = array<i64: 640, 256>}]} {
    %get3A = arith.constant 0 : index
    %get3A_0 = arith.constant 0 : index
    %get3A_1 = vector.load %arg1[%get3A, %get3A_0] : memref<640x128xf32, #tpu.memory_space<vmem>>, vector<640x128xf32>
    %get3A_2 = arith.constant 0 : index
    %get3A_3 = arith.constant 0 : index
    %get3A_4 = vector.load %arg3[%get3A_2, %get3A_3] : memref<256x256xf32, #tpu.memory_space<vmem>>, vector<256x128xf32>
    %dot_general3A = arith.constant dense<0.000000e+00> : vector<640x256xf32>
    %dot_general3A_5 = tpu.matmul %get3A_1, %get3A_4, %dot_general3A {dimension_numbers = #tpu.dot_dimension_numbers<[1], [1], [0], [0], [0, 0, 1, 0], [], []>, transpose_lhs_hint = false} : vector<640x128xf32>, vector<256x128xf32>, vector<640x256xf32> -> vector<640x256xf32>
    %get3A_6 = arith.constant 0 : index
    %get3A_7 = arith.constant 0 : index
    %get3A_8 = vector.load %arg2[%get3A_6, %get3A_7] : memref<640x128xf32, #tpu.memory_space<vmem>>, vector<640x128xf32>
    %get3A_9 = arith.constant 0 : index
    %get3A_10 = arith.constant 128 : index
    %get3A_11 = vector.load %arg3[%get3A_9, %get3A_10] : memref<256x256xf32, #tpu.memory_space<vmem>>, vector<256x128xf32>
    %dot_general3A_12 = arith.constant dense<0.000000e+00> : vector<640x256xf32>
    %dot_general3A_13 = tpu.matmul %get3A_8, %get3A_11, %dot_general3A_12 {dimension_numbers = #tpu.dot_dimension_numbers<[1], [1], [0], [0], [0, 0, 1, 0], [], []>, transpose_lhs_hint = false} : vector<640x128xf32>, vector<256x128xf32>, vector<640x256xf32> -> vector<640x256xf32>
    %add3A = arith.addf %dot_general3A_5, %dot_general3A_13 : vector<640x256xf32>
    %get3A_14 = arith.constant 0 : index
    %get3A_15 = arith.constant 0 : index
    %get3A_16 = vector.load %arg5[%get3A_14, %get3A_15] : memref<640x1xf32, #tpu.memory_space<vmem>>, vector<640x1xf32>
    %mul3A = vector.broadcast %get3A_16 : vector<640x1xf32> to vector<640x256xf32>
    %mul3A_17 = arith.mulf %add3A, %mul3A : vector<640x256xf32>
    %get3A_18 = arith.constant 0 : index
    %get3A_19 = arith.constant 0 : index
    %get3A_20 = vector.load %arg4[%get3A_18, %get3A_19] : memref<1x256xf32, #tpu.memory_space<vmem>>, vector<1x256xf32>
    %add3A_21 = vector.broadcast %get3A_20 : vector<1x256xf32> to vector<640x256xf32>
    %add3A_22 = arith.addf %mul3A_17, %add3A_21 : vector<640x256xf32>
    %gt3A = arith.constant 0.000000e+00 : f32
    %gt3A_23 = vector.broadcast %gt3A : f32 to vector<640x256xf32>
    %gt3A_24 = arith.cmpf ogt, %add3A_22, %gt3A_23 : vector<640x256xf32>
    %min3A = arith.constant 0.000000e+00 : f32
    %min3A_25 = vector.broadcast %min3A : f32 to vector<640x256xf32>
    %min3A_26 = arith.minimumf %add3A_22, %min3A_25 : vector<640x256xf32>
    %exp3A = math.exp %min3A_26 : vector<640x256xf32>
    %sub3A = arith.constant 1.000000e+00 : f32
    %sub3A_27 = vector.broadcast %sub3A : f32 to vector<640x256xf32>
    %sub3A_28 = arith.subf %exp3A, %sub3A_27 : vector<640x256xf32>
    %select_n3A = arith.select %gt3A_24, %add3A_22, %sub3A_28 : vector<640x256xi1>, vector<640x256xf32>
    %swap3A = arith.constant 0 : index
    %swap3A_29 = arith.constant 0 : index
    %swap3A_30 = vector.load %arg6[%swap3A, %swap3A_29] : memref<640x256xf32, #tpu.memory_space<vmem>>, vector<640x256xf32>
    tpu.vector_store %arg6[%swap3A, %swap3A_29], %select_n3A {strides = array<i32>} : memref<640x256xf32, #tpu.memory_space<vmem>>, vector<640x256xf32>,
    return
  }
  func.func @transform_0(%arg0: i32) -> (i32, i32) {
    %c0_i32 = arith.constant 0 : i32
    %c0_i32_0 = arith.constant 0 : i32
    return %arg0, %c0_i32 : i32, i32
  }
  func.func @transform_1(%arg0: i32) -> (i32, i32) {
    %add3A = arith.constant 16 : i32
    %add3A_0 = arith.addi %add3A, %arg0 : i32
    %c0_i32 = arith.constant 0 : i32
    %c0_i32_1 = arith.constant 0 : i32
    return %add3A_0, %c0_i32 : i32, i32
  }
  func.func @transform_2(%arg0: i32) -> (i32, i32) {
    %c0_i32 = arith.constant 0 : i32
    %c0_i32_0 = arith.constant 0 : i32
    %c0_i32_1 = arith.constant 0 : i32
    return %c0_i32, %c0_i32_0 : i32, i32
  }
  func.func @transform_3(%arg0: i32) -> (i32, i32) {
    %c0_i32 = arith.constant 0 : i32
    %c0_i32_0 = arith.constant 0 : i32
    %c0_i32_1 = arith.constant 0 : i32
    return %c0_i32, %c0_i32_0 : i32, i32
  }
  func.func @transform_4(%arg0: i32) -> (i32, i32) {
    %c0_i32 = arith.constant 0 : i32
    %c0_i32_0 = arith.constant 0 : i32
    return %arg0, %c0_i32 : i32, i32
  }
  func.func @transform_5(%arg0: i32) -> (i32, i32) {
    %c0_i32 = arith.constant 0 : i32
    %c0_i32_0 = arith.constant 0 : i32
    return %arg0, %c0_i32 : i32, i32
  }
}

</mosaic_0001>

<sc_bundles>
// kernel: kernel.5.cloned.1.call-start
scs
__scs_entry_jumppad:
0x0: {  	(pc) =	sbr.rel $0x88, $3  }
0x1: {  	(tag) =	ssettag $0x0;
	lr =	simm.s32 $0x1  }
0x2: {  	[smem:$0x3F9C] =	sst lr;
	_ =	strace $0xD0000000  }
0x3: {  	_ = 	snop  }
0x4: {  	_ = 	snop  }
0x5: {  	_ = 	snop  }
0x6: {  	_ = 	snop  }
0x7: {  	_ = 	snop  }
__scs_overlays_trampoline_lowered:
0x8: {  	[smem:$0x3FAB] =	sst s0  }
0x9: {  	[smem:$0x3FAC] =	sst s1  }
0xa: {  	[smem:$0x3FAD] =	sst s2  }
0xb: {  	[smem:$0x3FAE] =	sst s3  }
0xc: {  	[smem:$0x3FAF] =	sst s4  }
0xd: {  	[smem:$0x3FB0] =	sst s5  }
0xe: {  	[smem:$0x3FB1] =	sst s6  }
0xf: {  	[smem:$0x3FB2] =	sst s7  }
0x10: {  	[smem:$0x3FB3] =	sst s8  }
0x11: {  	[smem:$0x3FB4] =	sst s9;
	s0 =	simm.s32 @!p0 $0x0  }
0x12: {  	s1 =	sld [smem:$0x3F9A];
	s0 =	simm.s32 @p0 $0x1  }
0x13: {  	[smem:$0x3FB5] =	sst s0;
	s0 =	simm.s32 @!p1 $0x0  }
0x14: {  	s2 =	sld [smem:$0x3F99];
	s0 =	simm.s32 @p1 $0x1  }
0x15: {  	[smem:$0x3FB6] =	sst s0;
	s0 =	simm.s32 @!p2 $0x0  }
0x16: {  	s3 =	sld [smem:$0x3FDB];
	s0 =	simm.s32 @p2 $0x1  }
0x17: {  	s4 =	simm.s32 $0x1BF5;
	[smem:$0x3FB8] =	sst s0  }
0x18: {  	s0 =	sld [smem:$0x3F9B];
	_ =	swait.ge [sflag:s4], $0x0  }
0x19: {  	s7 =	sld [smem:$0x3F9C]  }
0x1a: {  	s8 =	sadd.s32 $0xFFFFE003, lr  }
0x1b: {  	s9 =	sadd.s32 $0xFFFFFEF7, lr;
	s5 =	simm.s32 $0xFFFFFFFF;
	p2 =	slt.u32 s8, $0xFFFFF086  }
0x1c: {  	p1 =	slt.u32 s9, $0xF7A;
	s5 =	simm.s32 @!p2 $0x0  }
0x1d: {  	s5 =	simm.s32 @p1 $0x1;
	p0 =	seq.s32 s7, s2  }
0x1e: {  	s7 =	smul.u32 @!p0 $0xF7A, s2;
	p2 =	seq.s32 @!p0 s5, $0x0  }
0x1f: {  	s9 =	smul.u32 $0xF7A, s1;
	s8 =	simm.s32 @!p0 $0x1BF5;
	p2 =	por !p2, p0  }
0x20: {  	[sflag:s8] =	ssyncset.s32 @!p0 $0xFFFFF086;
	s6 =	sadd.s32 @!p0 s3, s7;
	s7 =	simm.s32 @!p0 $0x108  }
0x21: {  	s3 =	sadd.s32 s3, s9;
	s6 =	sadd.s32 @!p0 $0x88, s6;
	s7 =	simm.s32 @p2 $0x1082  }
0x22: {  	[simem:s7], [sflag:s8] =	dma.local @!p0 [hbm:s6], $0xF7A  }
0x23: {  	s9 =	sor.u32 $0xD0000000, s2;
	s6 =	simm.s32 $0x108;
	_ =	swait.ge @!p0 [sflag:s8], $0x0  }
0x24: {  	s3 =	sadd.s32 $0x88, s3;
	s6 =	simm.s32 @!p1 $0x1082;
	[sflag:s4] =	ssyncset.s32 $0xFFFFF086  }
0x25: {  	[simem:s6], [sflag:s4] =	dma.local [hbm:s3], $0xF7A  }
0x26: {  	[smem:$0x3F9C] =	sst s1;
	(tag) =	ssettag s2;
	_ =	strace s9  }
0x27: {  	s1 =	sld [smem:$0x3FAC]  }
0x28: {  	s2 =	sld [smem:$0x3FAD]  }
0x29: {  	s4 =	sld [smem:$0x3FAF]  }
0x2a: {  	p0 =	seq.s32 s5, $0x0;
	s5 =	sld [smem:$0x3FB0]  }
0x2b: {  	s6 =	sld [smem:$0x3FB1]  }
0x2c: {  	s7 =	sld [smem:$0x3FB2]  }
0x2d: {  	s3 =	simm.s32 $0x108;
	s8 =	sld [smem:$0x3FB3]  }
0x2e: {  	s3 =	simm.s32 @!p0 $0x1082;
	s9 =	sld [smem:$0x3FB4]  }
0x2f: {  	lr =	sadd.s32 s0, s3;
	s0 =	sld [smem:$0x3FAB]  }
0x30: {  	s3 =	sld [smem:$0x3FAE]  }
0x31: {  	[smem:$0x3FB7] =	sst s10  }
0x32: {  	s10 =	sld [smem:$0x3FB5];
	_ =	sdelay $0x3  }
0x33: {  	p0 =	seq.s32 s10, $0x1;
	s10 =	sld [smem:$0x3FB7];
	_ =	sdelay $0x3  }
0x34: {  	[smem:$0x3FB7] =	sst s10  }
0x35: {  	s10 =	sld [smem:$0x3FB6];
	_ =	sdelay $0x3  }
0x36: {  	p1 =	seq.s32 s10, $0x1;
	s10 =	sld [smem:$0x3FB7];
	_ =	sdelay $0x3  }
0x37: {  	[smem:$0x3FB7] =	sst s10  }
0x38: {  	s10 =	sld [smem:$0x3FB8]  }
0x39: {  	_ = 	snop;
	(pc) =	sbr.ind lr, $3  }
0x3a: {  	_ = 	snop  }
0x3b: {  	_ = 	snop  }
0x3c: {  	p2 =	seq.s32 s10, $0x1;
	s10 =	sld [smem:$0x3FB7]  }
0x3d: {  	_ =	shalt  }
0x3e: {  	_ =	shalt  }
0x3f: {  	_ =	shalt  }
0x40: {  	_ =	shalt  }
0x41: {  	_ =	shalt  }
0x42: {  	_ =	shalt  }
0x43: {  	_ =	shalt  }
0x44: {  	_ =	shalt  }
0x45: {  	_ =	shalt  }
0x46: {  	_ =	shalt  }
0x47: {  	_ =	shalt  }
0x48: {  	_ =	shalt  }
0x49: {  	_ =	shalt  }
0x4a: {  	_ =	shalt  }
0x4b: {  	_ =	shalt  }
0x4c: {  	_ =	shalt  }
0x4d: {  	_ =	shalt  }
0x4e: {  	_ =	shalt  }
0x4f: {  	_ =	shalt  }
0x50: {  	_ =	shalt  }
0x51: {  	_ =	shalt  }
0x52: {  	_ =	shalt  }
0x53: {  	_ =	shalt  }
0x54: {  	_ =	shalt  }
0x55: {  	_ =	shalt  }
0x56: {  	_ =	shalt  }
0x57: {  	_ =	shalt  }
0x58: {  	_ =	shalt  }
0x59: {  	_ =	shalt  }
0x5a: {  	_ =	shalt  }
0x5b: {  	_ =	shalt  }
0x5c: {  	_ =	shalt  }
0x5d: {  	_ =	shalt  }
0x5e: {  	_ =	shalt  }
0x5f: {  	_ =	shalt  }
0x60: {  	_ =	shalt  }
0x61: {  	_ =	shalt  }
0x62: {  	_ =	shalt  }
0x63: {  	_ =	shalt  }
0x64: {  	_ =	shalt  }
0x65: {  	_ =	shalt  }
0x66: {  	_ =	shalt  }
0x67: {  	_ =	shalt  }
0x68: {  	_ =	shalt  }
0x69: {  	_ =	shalt  }
0x6a: {  	_ =	shalt  }
0x6b: {  	_ =	shalt  }
0x6c: {  	_ =	shalt  }
0x6d: {  	_ =	shalt  }
0x6e: {  	_ =	shalt  }
0x6f: {  	_ =	shalt  }
0x70: {  	_ =	shalt  }
0x71: {  	_ =	shalt  }
0x72: {  	_ =	shalt  }
0x73: {  	_ =	shalt  }
0x74: {  	_ =	shalt  }
0x75: {  	_ =	shalt  }
0x76: {  	_ =	shalt  }
0x77: {  	_ =	shalt  }
0x78: {  	_ =	shalt  }
0x79: {  	_ =	shalt  }
0x7a: {  	_ =	shalt  }
0x7b: {  	_ =	shalt  }
0x7c: {  	_ =	shalt  }
0x7d: {  	_ =	shalt  }
0x7e: {  	_ =	shalt  }
0x7f: {  	_ =	shalt  }
0x80: {  	_ =	shalt  }
0x81: {  	_ =	shalt  }
0x82: {  	_ =	shalt  }
0x83: {  	_ =	shalt  }
0x84: {  	_ =	shalt  }
0x85: {  	_ =	shalt  }
0x86: {  	_ =	shalt  }
0x87: {  	_ =	shalt  }
.Lfunc_end0:
.L_simem_size_0:
called_computation_lowered:
.L_overlay_start_0:
0x88: {  	s2 =	sld [smem:$0x3FD9]  }
0x89: {  	s3 =	sld [smem:$0x3FFE];
	_ =	sdelay $0x1  }
0x8a: {  	s1 =	srdreg.scid  }
0x8b: {  	s0 =	sand.u32 $0x1, s1  }
0x8c: {  	s17 =	sshll.u32 s0, $0xA;
	s2 =	sadd.s32 s3, s2  }
0x8d: {  	s2 =	sadd.s32 s2, s17  }
0x8e: {  	[smem:$0x3FC3] =	sst s2  }
0x8f: {  	_ = 	snop  }
0x90: {  	s2 =	sld [smem:$0x3FD0];
	(tm) =	ssettm $0x1  }
0x91: {  	s18 =	sld [smem:$0x3FFB];
	_ =	sdelay $0x3  }
0x92: {  	_ =	strace s18  }
0x93: {  	s3 =	sld [smem:$0x3FFC];
	_ =	sdelay $0x3  }
0x94: {  	_ =	strace s3  }
0x95: {  	s3 =	sld [smem:$0x3FFD];
	_ =	sdelay $0x3  }
0x96: {  	_ =	strace s3  }
0x97: {  	_ =	strace $0x8FFFFFFF  }
0x98: {  	s19 =	sld [smem:$0x3FDB];
	_ =	sdelay $0x1  }
0x99: {  	s4 =	simm.s32 $_scs_section_size  }
0x9a: {  	s5 =	simm.s32 $_size__tile_overlayer_lowered;
	s6 =	simm.s32 $_tile_overlayer_lowered  }
0x9b: {  	s22 =	simm.s32 $0x1BFF;
	s21 =	sshll.u32 s6, $0x1;
	s3 =	sadd.s32 s4, s19  }
0x9c: {  	s7 =	simm.s32 $0x0;
	s20 =	sshll.u32 s5, $0x1;
	s5 =	sadd.s32 s21, s3  }
0x9d: {  	[timem:s7], [sflag:s22] =	dma.local [hbm:s5], s20  }
0x9e: {  	_ =	swait.ge [sflag:s22], s20  }
0x9f: {  	s4 =	ssub.s32 $0x0, s20;
	[sflag:s22] =	ssyncset.done $0x0  }
0xa0: {  	[sflag:s22] =	ssyncadd.s32 s4;
	_ =	sdelay $0x1  }
0xa1: {  	s23 =	simm.s32 $0x1B8B  }
0xa2: {  	_ =	swait.ge [sflag:s23], $0x1  }
0xa3: {  	[sflag:s23] =	ssyncset.done $0x0  }
0xa4: {  	s25 =	simm.s32 $0x1B8E;
	s24 =	sld [smem:$0x3FFE];
	[sflag:s23] =	ssyncadd.s32 $0xFFFFFFFF  }
0xa5: {  	s26 =	simm.s32 $execute0_lowered;
	[smem:$0x3FD2] =	sst s25  }
0xa6: {  	s5 =	sshll.u32 s26, $0x1;
	_ =	strace $0x80000046;
	[dreg:$0x1] =	wrdreg $0xFFFFFFFF  }
0xa7: {  	s28 =	simm.s32 $_size_execute0_lowered;
	s3 =	sadd.s32 s3, s5;
	[dreg:$0x0] =	wrdreg $0x0  }
0xa8: {  	s5 =	sshll.u32 s28, $0x1;
	[dreg:$0x2] =	wrdreg s3  }
0xa9: {  	[dreg:$0x3] =	wrdreg s5  }
0xaa: {  	[dreg:$0x4] =	wrdreg $0xC0  }
0xab: {  	_ =	task [dreg:s7], $0x5FFFF  }
0xac: {  	[dreg:$0x1] =	wrdreg $0xFFFFFFFF  }
0xad: {  	[dreg:$0x0] =	wrdreg $0x60  }
0xae: {  	[dreg:$0x2] =	wrdreg s2  }
0xaf: {  	[dreg:$0x3] =	wrdreg s24  }
0xb0: {  	[dreg:$0x4] =	wrdreg $0xB0000  }
0xb1: {  	[dreg:$0x5] =	wrdreg $0x9  }
0xb2: {  	_ =	task.clear_ibuf [dreg:s7], $0x6FFFF;
	_ =	strace $0x90000046  }
0xb3: {  	s29 =	simm.s32 $0x9;
	_ =	strace $0x80000048  }
0xb4: {  	_ =	swait.ge [sflag:s29], $0x1  }
0xb5: {  	[sflag:s29] =	ssyncadd.s32 $0xFFFFFFFF  }
0xb6: {  	_ =	strace $0x90000048  }
0xb7: {  	_ =	sfence  }
0xb8: {  	s30 =	sld [smem:$0x0];
	_ =	sdelay $0x2  }
0xb9: {  	s31 =	sshll.u32 s1, $0xD;
	s1 =	sshrl.u32 s1, $0x2  }
0xba: {  	s3 =	sand.u32 $0x4000, s31;
	s1 =	sadd.s32 s1, s30  }
0xbb: {  	s0 =	sor.u32 s3, s0;
	s1 =	sshll.u32 s1, $0x11  }
0xbc: {  	s0 =	sor.u32 s1, s0  }
0xbd: {  	s0 =	sadd.s32 $0x8F2B, s0  }
0xbe: {  	[sflag:s0] =	ssyncadd.remote.s32 $0x1  }
0xbf: {  	_ =	sfence.sel $0xFFFF  }
0xc0: {  	[dreg:$0x0] =	wrdreg $0xFFFFFFFF;
	(pc) =	sbr.abs _section_cstart, $3  }
0xc1: {  	[dreg:$0x1] =	wrdreg $0xFFFFFFFF  }
0xc2: {  	_ =	task.clear_ibuf [dreg:s7], $0x2FFFF;
	_ =	strace $0x9FFFFFFF  }
0xc3: {  	(tm) =	ssettm $0x7FFFFFFF  }
tec
execute0_lowered:
.L_overlay_start_1:
0x0: {  	(tag) =	ssettag $0x1  }
0x1: {  	s1 =	rddreg [dreg:$0x0]  }
0x2: {  	s5 =	rddreg [dreg:$0x1]  }
0x3: {  	s3 =	rddreg [dreg:$0x2]  }
0x4: {  	s0 =	rddreg [dreg:$0x3]  }
0x5: {  	s4 =	simm.s32 $0x0;
	s2 =	stileid.u32;
	s6 =	srdreg.scid  }
0x6: {  	s28 =	simm.s32 $0x0;
	[smem:$0x7FF] =	sst s4;
	s13 =	smul.u32 $0x280, s2  }
0x7: {  	s12 =	sadd.s32 $0xA00, s5;
	s10 =	sand.u32 $0x1, s6;
	s22 =	smul.u32 $0x50000, s2  }
0x8: {  	s14 =	sadd.s32 $0xAC00, s5;
	s18 =	sadd.s32 $0xFE00, s5;
	s20 =	smul.u32 $0x2800, s2  }
0x9: {  	_ =	strace $0x80000047;
	s23 =	ssub.s32 $0x2, s10;
	s11 =	smul.u32 $0x28400, s10  }
0xa: {  	s7 =	sshrl.u32 s23, $0x1;
	s6 =	sshrl.u32 s22, $0x2;
	s15 =	sadd.s32 $0x80, s13  }
0xb: {  	s16 =	sadd.s32 $0x100, s13;
	s17 =	sadd.s32 $0x180, s13;
	s21 =	sadd.s32 $0x200, s13  }
0xc: {  	s19 =	ssub.s32 s23, s7;
	s5 =	sadd.s32 s6, s3;
	s24 =	sshll.u32 s15, $0x7  }
0xd: {  	s25 =	sshll.u32 s16, $0x7;
	s8 =	sshll.u32 s17, $0x7;
	s9 =	sshll.u32 s21, $0x7  }
0xe: {  	s22 =	sadd.s32 s20, s11;
	s23 =	sadd.s32 $0x1400, s20;
	s20 =	sshrl.u32 s20, $0x3  }
0xf: {  	s6 =	sadd.s32 s24, s3;
	s7 =	sadd.s32 s25, s3;
	s8 =	sadd.s32 s8, s3  }
0x10: {  	s9 =	sadd.s32 s9, s3;
	s22 =	sshrl.u32 s22, $0x3;
	s24 =	sadd.s32 s11, s23  }
0x11: {  	s25 =	smul.u32 $0x2800, s10;
	s11 =	sadd.s32 s14, s20;
	s29 =	sshrl.u32 s23, $0x3  }
0x12: {  	s19 =	smax.u32 s19, $0x1;
	s23 =	simm.s32 $0x80;
	s10 =	sadd.s32 s12, s22  }
0x13: {  	s26 =	sshrl.u32 s24, $0x3;
	s22 =	simm.s32 $0x1800;
	s24 =	simm.s32 $0x7000  }
0x14: {  	s12 =	sadd.s32 s12, s26;
	s13 =	sadd.s32 s13, s25;
	s15 =	sadd.s32 s25, s15  }
0x15: {  	s16 =	sadd.s32 s25, s16;
	s17 =	sadd.s32 s25, s17;
	s31 =	sadd.s32 s25, s21  }
0x16: {  	s21 =	simm.s32 $0x3;
	s25 =	simm.s32 $0x1;
	s26 =	simm.s32 $0x2  }
0x17: {  	s30 =	sshll.u32 s13, $0x4;
	s15 =	sshll.u32 s15, $0x4;
	s13 =	sadd.s32 s14, s29  }
0x18: {  	s16 =	sshll.u32 s16, $0x4;
	s17 =	sshll.u32 s17, $0x4;
	s20 =	sshll.u32 s31, $0x4  }
0x19: {  	s14 =	sadd.s32 s18, s30;
	s15 =	sadd.s32 s18, s15;
	s16 =	sadd.s32 s18, s16  }
0x1a: {  	v0 =	vimm.f32 $0.0e+00;
	s17 =	sadd.s32 s18, s17;
	s18 =	sadd.s32 s18, s20;
	s20 =	simm.s32 $0x3000  }
.LBB2_1:
0x1b: {  	s29 =	simm.s32 $0x0;
	s30 =	simm.s32 $0x200  }
.LBB2_2:
0x1c: {  	p0 =	sne.s32 s30, $0xFE00;
	[tilespmem:s29+$0x3070] =	vst v0  }
0x1d: {  	[tilespmem:s29+$0x3000] =	vst v0  }
0x1e: {  	[tilespmem:s29+$0x3010] =	vst v0  }
.Ltmp0:
0x1f: {  	[tilespmem:s29+$0x3020] =	vst v0;
	(pc) =	sbr.rel @p0 .LBB2_2-.Ltmp0, $4  }
0x20: {  	[tilespmem:s29+$0x3030] =	vst v0  }
0x21: {  	[tilespmem:s29+$0x3040] =	vst v0  }
0x22: {  	[tilespmem:s29+$0x3050] =	vst v0  }
0x23: {  	[tilespmem:s29+$0x3060] =	vst v0;
	s29 =	sshra.s32 s30, $0x2;
	s30 =	sadd.s32 $0x200, s30  }
0x24: {  	[tilespmem:s29+$0x3070] =	vst v0  }
0x25: {  	[tilespmem:s29+$0x3000] =	vst v0  }
0x26: {  	[tilespmem:s29+$0x3010] =	vst v0  }
0x27: {  	[tilespmem:s29+$0x3020] =	vst v0  }
0x28: {  	[tilespmem:s29+$0x3030] =	vst v0  }
0x29: {  	[tilespmem:s29+$0x3040] =	vst v0  }
0x2a: {  	[tilespmem:s29+$0x3050] =	vst v0  }
0x2b: {  	[tilespmem:s29+$0x3060] =	vst v0  }
0x2c: {  	[spmem:s5] =	stream.linear.scatter [tilespmem:s20], [sflag:$0x3], $0x4000, $0x38;
	[tilespmem:$0x1F000] =	vst v63  }
0x2d: {  	_ =	swait.ge [sflag:s21], $0x4000  }
0x2e: {  	[sflag:s21] =	ssyncset.done $0x0  }
0x2f: {  	[sflag:s21] =	ssyncadd.s32 $0xFFFFC000  }
0x30: {  	[spmem:s6] =	stream.linear.scatter [tilespmem:s20], [sflag:$0x3], $0x4000, $0x38;
	[tilespmem:$0x1F000] =	vst v63  }
0x31: {  	_ =	swait.ge [sflag:s21], $0x4000  }
0x32: {  	[sflag:s21] =	ssyncset.done $0x0  }
0x33: {  	[sflag:s21] =	ssyncadd.s32 $0xFFFFC000  }
0x34: {  	[spmem:s7] =	stream.linear.scatter [tilespmem:s20], [sflag:$0x3], $0x4000, $0x38;
	[tilespmem:$0x1F000] =	vst v63  }
0x35: {  	_ =	swait.ge [sflag:s21], $0x4000  }
0x36: {  	[sflag:s21] =	ssyncset.done $0x0  }
0x37: {  	[sflag:s21] =	ssyncadd.s32 $0xFFFFC000  }
0x38: {  	[spmem:s8] =	stream.linear.scatter [tilespmem:s20], [sflag:$0x3], $0x4000, $0x38;
	[tilespmem:$0x1F000] =	vst v63  }
0x39: {  	_ =	swait.ge [sflag:s21], $0x4000  }
0x3a: {  	[sflag:s21] =	ssyncset.done $0x0  }
0x3b: {  	[sflag:s21] =	ssyncadd.s32 $0xFFFFC000  }
0x3c: {  	[spmem:s9] =	stream.linear.scatter [tilespmem:s20], [sflag:$0x3], $0x4000, $0x38;
	[tilespmem:$0x1F000] =	vst v63  }
0x3d: {  	_ =	swait.ge [sflag:s21], $0x4000  }
0x3e: {  	[sflag:s21] =	ssyncset.done $0x0  }
0x3f: {  	[sflag:s21] =	ssyncadd.s32 $0xFFFFC000  }
0x40: {  	s29 =	simm.s32 $0x0;
	[bflag:$0x0] =	sbarrier.arrive $0xFFFF  }
0x41: {  	[tilespmem:s29], [sflag:$0x3] =	stream.linear.gather [hbm4b:s10+s29], $0x1800, $0x38;
	[tilespmem:$0x1F000] =	vst v63  }
0x42: {  	_ =	swait.ge [sflag:s21], $0x1800  }
0x43: {  	[sflag:s21] =	ssyncset.done $0x0  }
0x44: {  	[sflag:s21] =	ssyncadd.s32 $0xFFFFE800  }
0x45: {  	[tilespmem:s22], [sflag:$0x3] =	stream.linear.gather [hbm4b:s11+s29], $0x1800, $0x38;
	[tilespmem:$0x1F000] =	vst v63  }
0x46: {  	_ =	swait.ge [sflag:s21], $0x1800  }
0x47: {  	[sflag:s21] =	ssyncset.done $0x0  }
0x48: {  	[sflag:s21] =	ssyncadd.s32 $0xFFFFE800  }
0x49: {  	[tilespmem:s20], [sflag:$0x1] =	stream.indirect.gather [hbm4b:s1+s23], $0x80, s29, s23, $0xb8;
	[tilespmem:$0x1F000] =	vst v63  }
0x4a: {  	_ = 	snop  }
0x4b: {  	[tilespmem:s24], [sflag:$0x2] =	stream.indirect.gather [hbm4b:s1+s23], $0x80, s23, s23, $0xb8;
	[tilespmem:$0x1F000] =	vst v63  }
0x4c: {  	_ =	swait.ge [sflag:s25], $0x4000  }
0x4d: {  	[sflag:s25] =	ssyncset.done $0x0  }
0x4e: {  	s29 =	simm.s32 $0x1800;
	[sflag:s25] =	ssyncadd.s32 $0xFFFFC000  }
0x4f: {  	[spmem:s3] =	stream.indirect.scatter.add.f32 [tilespmem:s20], [sflag:$0x3], $0x80, s29, s23, $0xb8;
	[tilespmem:$0x1F000] =	vst v63  }
0x50: {  	_ =	swait.ge [sflag:s21], $0x4000  }
0x51: {  	[sflag:s21] =	ssyncset.done $0x0  }
0x52: {  	s29 =	simm.s32 $0x100;
	[sflag:s21] =	ssyncadd.s32 $0xFFFFC000  }
0x53: {  	[tilespmem:s20], [sflag:$0x1] =	stream.indirect.gather [hbm4b:s1+s23], $0x80, s29, s23, $0xb8;
	[tilespmem:$0x1F000] =	vst v63  }
0x54: {  	_ =	swait.ge [sflag:s26], $0x4000  }
0x55: {  	[sflag:s26] =	ssyncset.done $0x0  }
0x56: {  	s29 =	simm.s32 $0x1880;
	[sflag:s26] =	ssyncadd.s32 $0xFFFFC000  }
0x57: {  	[spmem:s3] =	stream.indirect.scatter.add.f32 [tilespmem:s24], [sflag:$0x3], $0x80, s29, s23, $0xb8;
	[tilespmem:$0x1F000] =	vst v63  }
0x58: {  	_ =	swait.ge [sflag:s21], $0x4000  }
0x59: {  	[sflag:s21] =	ssyncset.done $0x0  }
0x5a: {  	s30 =	simm.s32 $0x180;
	s29 =	simm.s32 $0x400;
	[sflag:s21] =	ssyncadd.s32 $0xFFFFC000  }
.LBB2_4:
0x5b: {  	[tilespmem:s24], [sflag:$0x2] =	stream.indirect.gather [hbm4b:s1+s23], $0x80, s30, s23, $0xb8;
	[tilespmem:$0x1F000] =	vst v63  }
0x5c: {  	s30 =	smov.u32 s29  }
0x5d: {  	p0 =	sne.s32 s29, $0x4C00;
	s29 =	sadd.s32 $0x400, s29;
	_ =	swait.ge [sflag:s25], $0x4000  }
0x5e: {  	s30 =	sshra.s32 s30, $0x2;
	[sflag:s25] =	ssyncset.done $0x0  }
0x5f: {  	s31 =	sadd.s32 $0x1800, s30;
	[sflag:s25] =	ssyncadd.s32 $0xFFFFC000  }
0x60: {  	[spmem:s3] =	stream.indirect.scatter.add.f32 [tilespmem:s20], [sflag:$0x3], $0x80, s31, s23, $0xb8;
	[tilespmem:$0x1F000] =	vst v63  }
0x61: {  	_ =	swait.ge [sflag:s21], $0x4000  }
0x62: {  	[sflag:s21] =	ssyncset.done $0x0  }
0x63: {  	s31 =	sadd.s32 $0x100, s30;
	[sflag:s21] =	ssyncadd.s32 $0xFFFFC000  }
0x64: {  	[tilespmem:s20], [sflag:$0x1] =	stream.indirect.gather [hbm4b:s1+s23], $0x80, s31, s23, $0xb8;
	[tilespmem:$0x1F000] =	vst v63  }
0x65: {  	_ =	swait.ge [sflag:s26], $0x4000  }
0x66: {  	[sflag:s26] =	ssyncset.done $0x0  }
.Ltmp1:
0x67: {  	s31 =	sadd.s32 $0x1880, s30;
	[sflag:s26] =	ssyncadd.s32 $0xFFFFC000;
	(pc) =	sbr.rel @p0 .LBB2_4-.Ltmp1, $4  }
0x68: {  	[spmem:s3] =	stream.indirect.scatter.add.f32 [tilespmem:s24], [sflag:$0x3], $0x80, s31, s23, $0xb8;
	[tilespmem:$0x1F000] =	vst v63  }
0x69: {  	_ =	swait.ge [sflag:s21], $0x4000  }
0x6a: {  	[sflag:s21] =	ssyncset.done $0x0  }
0x6b: {  	s30 =	sadd.s32 $0x180, s30;
	[sflag:s21] =	ssyncadd.s32 $0xFFFFC000  }
0x6c: {  	[tilespmem:s24], [sflag:$0x2] =	stream.indirect.gather [hbm4b:s1+s23], $0x80, s30, s23, $0xb8;
	[tilespmem:$0x1F000] =	vst v63  }
0x6d: {  	_ =	swait.ge [sflag:s25], $0x4000  }
0x6e: {  	[sflag:s25] =	ssyncset.done $0x0  }
0x6f: {  	[sflag:s25] =	ssyncadd.s32 $0xFFFFC000  }
0x70: {  	_ =	swait.ge [sflag:s26], $0x4000  }
0x71: {  	[sflag:s26] =	ssyncset.done $0x0  }
0x72: {  	s29 =	simm.s32 $0x0;
	[sflag:s26] =	ssyncadd.s32 $0xFFFFC000  }
0x73: {  	[tilespmem:s29], [sflag:$0x3] =	stream.linear.gather [hbm4b:s12+s29], $0x1800, $0x38;
	[tilespmem:$0x1F000] =	vst v63  }
0x74: {  	_ =	swait.ge [sflag:s21], $0x1800  }
0x75: {  	[sflag:s21] =	ssyncset.done $0x0  }
0x76: {  	[sflag:s21] =	ssyncadd.s32 $0xFFFFE800  }
0x77: {  	[tilespmem:s22], [sflag:$0x3] =	stream.linear.gather [hbm4b:s13+s29], $0x1800, $0x38;
	[tilespmem:$0x1F000] =	vst v63  }
0x78: {  	_ =	swait.ge [sflag:s21], $0x1800  }
0x79: {  	[sflag:s21] =	ssyncset.done $0x0  }
0x7a: {  	[sflag:s21] =	ssyncadd.s32 $0xFFFFE800  }
0x7b: {  	[tilespmem:s20], [sflag:$0x1] =	stream.indirect.gather [hbm4b:s1+s23], $0x80, s29, s23, $0xb8;
	[tilespmem:$0x1F000] =	vst v63  }
0x7c: {  	_ = 	snop  }
0x7d: {  	[tilespmem:s24], [sflag:$0x2] =	stream.indirect.gather [hbm4b:s1+s23], $0x80, s23, s23, $0xb8;
	[tilespmem:$0x1F000] =	vst v63  }
0x7e: {  	_ =	swait.ge [sflag:s25], $0x4000  }
0x7f: {  	[sflag:s25] =	ssyncset.done $0x0  }
0x80: {  	s29 =	simm.s32 $0x1800;
	[sflag:s25] =	ssyncadd.s32 $0xFFFFC000  }
0x81: {  	[spmem:s3] =	stream.indirect.scatter.add.f32 [tilespmem:s20], [sflag:$0x3], $0x80, s29, s23, $0xb8;
	[tilespmem:$0x1F000] =	vst v63  }
0x82: {  	_ =	swait.ge [sflag:s21], $0x4000  }
0x83: {  	[sflag:s21] =	ssyncset.done $0x0  }
0x84: {  	s29 =	simm.s32 $0x100;
	[sflag:s21] =	ssyncadd.s32 $0xFFFFC000  }
0x85: {  	[tilespmem:s20], [sflag:$0x1] =	stream.indirect.gather [hbm4b:s1+s23], $0x80, s29, s23, $0xb8;
	[tilespmem:$0x1F000] =	vst v63  }
0x86: {  	_ =	swait.ge [sflag:s26], $0x4000  }
0x87: {  	[sflag:s26] =	ssyncset.done $0x0  }
0x88: {  	s29 =	simm.s32 $0x1880;
	[sflag:s26] =	ssyncadd.s32 $0xFFFFC000  }
0x89: {  	[spmem:s3] =	stream.indirect.scatter.add.f32 [tilespmem:s24], [sflag:$0x3], $0x80, s29, s23, $0xb8;
	[tilespmem:$0x1F000] =	vst v63  }
0x8a: {  	_ =	swait.ge [sflag:s21], $0x4000  }
0x8b: {  	[sflag:s21] =	ssyncset.done $0x0  }
0x8c: {  	s30 =	simm.s32 $0x180;
	s29 =	simm.s32 $0x400;
	[sflag:s21] =	ssyncadd.s32 $0xFFFFC000  }
.LBB2_6:
0x8d: {  	[tilespmem:s24], [sflag:$0x2] =	stream.indirect.gather [hbm4b:s1+s23], $0x80, s30, s23, $0xb8;
	[tilespmem:$0x1F000] =	vst v63  }
0x8e: {  	s30 =	smov.u32 s29  }
0x8f: {  	p0 =	sne.s32 s29, $0x4C00;
	s29 =	sadd.s32 $0x400, s29;
	_ =	swait.ge [sflag:s25], $0x4000  }
0x90: {  	s30 =	sshra.s32 s30, $0x2;
	[sflag:s25] =	ssyncset.done $0x0  }
0x91: {  	s31 =	sadd.s32 $0x1800, s30;
	[sflag:s25] =	ssyncadd.s32 $0xFFFFC000  }
0x92: {  	[spmem:s3] =	stream.indirect.scatter.add.f32 [tilespmem:s20], [sflag:$0x3], $0x80, s31, s23, $0xb8;
	[tilespmem:$0x1F000] =	vst v63  }
0x93: {  	_ =	swait.ge [sflag:s21], $0x4000  }
0x94: {  	[sflag:s21] =	ssyncset.done $0x0  }
0x95: {  	s31 =	sadd.s32 $0x100, s30;
	[sflag:s21] =	ssyncadd.s32 $0xFFFFC000  }
0x96: {  	[tilespmem:s20], [sflag:$0x1] =	stream.indirect.gather [hbm4b:s1+s23], $0x80, s31, s23, $0xb8;
	[tilespmem:$0x1F000] =	vst v63  }
0x97: {  	_ =	swait.ge [sflag:s26], $0x4000  }
0x98: {  	[sflag:s26] =	ssyncset.done $0x0  }
.Ltmp2:
0x99: {  	s31 =	sadd.s32 $0x1880, s30;
	[sflag:s26] =	ssyncadd.s32 $0xFFFFC000;
	(pc) =	sbr.rel @p0 .LBB2_6-.Ltmp2, $4  }
0x9a: {  	[spmem:s3] =	stream.indirect.scatter.add.f32 [tilespmem:s24], [sflag:$0x3], $0x80, s31, s23, $0xb8;
	[tilespmem:$0x1F000] =	vst v63  }
0x9b: {  	_ =	swait.ge [sflag:s21], $0x4000  }
0x9c: {  	[sflag:s21] =	ssyncset.done $0x0  }
0x9d: {  	s30 =	sadd.s32 $0x180, s30;
	[sflag:s21] =	ssyncadd.s32 $0xFFFFC000  }
0x9e: {  	[tilespmem:s24], [sflag:$0x2] =	stream.indirect.gather [hbm4b:s1+s23], $0x80, s30, s23, $0xb8;
	[tilespmem:$0x1F000] =	vst v63  }
0x9f: {  	_ =	swait.ge [sflag:s25], $0x4000  }
0xa0: {  	[sflag:s25] =	ssyncset.done $0x0  }
0xa1: {  	[sflag:s25] =	ssyncadd.s32 $0xFFFFC000  }
0xa2: {  	_ =	swait.ge [sflag:s26], $0x4000  }
0xa3: {  	[sflag:s26] =	ssyncset.done $0x0  }
0xa4: {  	[sflag:s26] =	ssyncadd.s32 $0xFFFFC000  }
0xa5: {  	[bflag:$0x0] =	sbarrier.arrive $0xFFFF  }
0xa6: {  	[tilespmem:s20], [sflag:$0x3] =	stream.linear.gather [spmem:s5], $0x4000, $0x38;
	[tilespmem:$0x1F000] =	vst v63  }
0xa7: {  	_ =	swait.ge [sflag:s21], $0x4000  }
0xa8: {  	[sflag:s21] =	ssyncset.done $0x0  }
0xa9: {  	[sflag:s21] =	ssyncadd.s32 $0xFFFFC000  }
0xaa: {  	[hbm4b:s14+s4] =	stream.linear.scatter [tilespmem:s20], [sflag:$0x3], $0x4000, $0x38;
	[tilespmem:$0x1F000] =	vst v63  }
0xab: {  	_ =	swait.ge [sflag:s21], $0x4000  }
0xac: {  	[sflag:s21] =	ssyncset.done $0x0  }
0xad: {  	[sflag:s21] =	ssyncadd.s32 $0xFFFFC000  }
0xae: {  	[tilespmem:s24], [sflag:$0x3] =	stream.linear.gather [spmem:s6], $0x4000, $0x38;
	[tilespmem:$0x1F000] =	vst v63  }
0xaf: {  	_ =	swait.ge [sflag:s21], $0x4000  }
0xb0: {  	[sflag:s21] =	ssyncset.done $0x0  }
0xb1: {  	[sflag:s21] =	ssyncadd.s32 $0xFFFFC000  }
0xb2: {  	[hbm4b:s15+s4] =	stream.linear.scatter [tilespmem:s24], [sflag:$0x3], $0x4000, $0x38;
	[tilespmem:$0x1F000] =	vst v63  }
0xb3: {  	_ =	swait.ge [sflag:s21], $0x4000  }
0xb4: {  	[sflag:s21] =	ssyncset.done $0x0  }
0xb5: {  	[sflag:s21] =	ssyncadd.s32 $0xFFFFC000  }
0xb6: {  	[tilespmem:s20], [sflag:$0x3] =	stream.linear.gather [spmem:s7], $0x4000, $0x38;
	[tilespmem:$0x1F000] =	vst v63  }
0xb7: {  	_ =	swait.ge [sflag:s21], $0x4000  }
0xb8: {  	[sflag:s21] =	ssyncset.done $0x0  }
0xb9: {  	[sflag:s21] =	ssyncadd.s32 $0xFFFFC000  }
0xba: {  	[hbm4b:s16+s4] =	stream.linear.scatter [tilespmem:s20], [sflag:$0x3], $0x4000, $0x38;
	[tilespmem:$0x1F000] =	vst v63  }
0xbb: {  	_ =	swait.ge [sflag:s21], $0x4000  }
0xbc: {  	[sflag:s21] =	ssyncset.done $0x0  }
0xbd: {  	[sflag:s21] =	ssyncadd.s32 $0xFFFFC000  }
0xbe: {  	[tilespmem:s24], [sflag:$0x3] =	stream.linear.gather [spmem:s8], $0x4000, $0x38;
	[tilespmem:$0x1F000] =	vst v63  }
0xbf: {  	_ =	swait.ge [sflag:s21], $0x4000  }
0xc0: {  	[sflag:s21] =	ssyncset.done $0x0  }
0xc1: {  	[sflag:s21] =	ssyncadd.s32 $0xFFFFC000  }
0xc2: {  	[hbm4b:s17+s4] =	stream.linear.scatter [tilespmem:s24], [sflag:$0x3], $0x4000, $0x38;
	[tilespmem:$0x1F000] =	vst v63  }
0xc3: {  	_ =	swait.ge [sflag:s21], $0x4000  }
0xc4: {  	[sflag:s21] =	ssyncset.done $0x0  }
0xc5: {  	[sflag:s21] =	ssyncadd.s32 $0xFFFFC000  }
0xc6: {  	[tilespmem:s20], [sflag:$0x3] =	stream.linear.gather [spmem:s9], $0x4000, $0x38;
	[tilespmem:$0x1F000] =	vst v63  }
0xc7: {  	s28 =	sadd.s32 $0x1, s28;
	_ =	swait.ge [sflag:s21], $0x4000  }
0xc8: {  	p0 =	sne.s32 s28, s19;
	[sflag:s21] =	ssyncset.done $0x0  }
.Ltmp3:
0xc9: {  	[sflag:s21] =	ssyncadd.s32 $0xFFFFC000;
	(pc) =	sbr.rel @p0 .LBB2_1-.Ltmp3, $4  }
0xca: {  	[hbm4b:s18+s4] =	stream.linear.scatter [tilespmem:s20], [sflag:$0x3], $0x4000, $0x38;
	[tilespmem:$0x1F000] =	vst v63  }
0xcb: {  	_ =	swait.ge [sflag:s21], $0x4000  }
0xcc: {  	[sflag:s21] =	ssyncset.done $0x0  }
0xcd: {  	[sflag:s21] =	ssyncadd.s32 $0xFFFFC000  }
0xce: {  	_ =	sfence.sel $0x180000  }
0xcf: {  	[bflag:$0x0] =	sbarrier.arrive $0xFFFF  }
0xd0: {  	p0 =	sne.s32 s2, $0x0;
	_ =	strace $0x90000047  }
0xd1: {  	s0 =	sadd.s32 @!p0 $0x100000, s0;
	[bflag:$0x2] =	sbarrier.arrive $0xFFFF  }
0xd2: {  	[sflag:s0] =	ssyncadd.tile.s32 @!p0 $0x1;
	_ =	shalt  }
.Lfunc_end2:
_tile_overlayer_lowered:
.L_overlay_start_2:
0xd3: {  	(tag) =	ssettag $0x2  }
0xd4: {  	s0 =	rddreg [dreg:$0x0];
	s2 =	stileid.u32  }
0xd5: {  	s1 =	rddreg [dreg:$0x1];
	p0 =	sne.s32 s2, $0x0  }
0xd6: {  	s3 =	rddreg [dreg:$0x2];
	[bflag:$0x3] =	sbarrier.arrive $0xFFFF;
	s2 =	simm.s32 @!p0 $0x1C03  }
0xd7: {  	[timem:s3], [sflag:s2] =	dma.local @!p0 [hbm:s0], s1  }
0xd8: {  	s0 =	simm.s32 @!p0 $0x3  }
0xd9: {  	_ =	swait.ge @!p0 [sflag:s0], s1  }
0xda: {  	s1 =	ssub.s32 @!p0 $0x0, s1;
	[sflag:s0] =	ssyncset.done @!p0 $0x0  }
0xdb: {  	[sflag:s0] =	ssyncadd.s32 @!p0 s1  }
0xdc: {  	[bflag:$0x3] =	sbarrier.arrive $0xFFFF  }
0xdd: {  	_ =	shalt  }

</sc_bundles>
